<compile_context>
chip_gen: v7x
topology: tpu7x:2x2x1
jax: 0.10.2.dev20260603
libtpu: 0.0.44.dev20260713+nightly
codegen_flags: <defaults>
</compile_context>

<pallas_src>
import functools

import jax
import jax.numpy as jnp
from jax import lax
from jax.experimental import pallas as pl
from jax.experimental.pallas import tpu as pltpu
from jax.experimental.pallas import tpu_sc as plsc

NUM_BINS = 100000

_INFO = plsc.get_sparse_core_info()
_NC = _INFO.num_cores
_NS = _INFO.num_subcores
_NL = _INFO.num_lanes
_NW = _NC * _NS

_TOTAL = 16384 * 26
_PER_W = _TOTAL // _NW
_NCH = 4
_CHUNK = _PER_W // _NCH

_mesh = plsc.VectorSubcoreMesh(core_axis_name="c", subcore_axis_name="s")


@functools.partial(
    pl.kernel,
    mesh=_mesh,
    out_type=jax.ShapeDtypeStruct((_TOTAL,), jnp.int32),
    scratch_types=[pltpu.VMEM((_PER_W,), jnp.int32)]
    + [pltpu.SemaphoreType.DMA] * (2 * _NCH),
)
def _hash_sc(x_hbm, out_hbm, x_v, *sems):
    in_sems, out_sems = sems[:_NCH], sems[_NCH:]
    wid = lax.axis_index("s") * _NC + lax.axis_index("c")
    base = wid * _PER_W

    in_handles = [
        pltpu.async_copy(
            x_hbm.at[pl.ds(base + c * _CHUNK, _CHUNK)],
            x_v.at[pl.ds(c * _CHUNK, _CHUNK)],
            in_sems[c],
        )
        for c in range(_NCH)
    ]
    out_handles = []
    for c in range(_NCH):
        in_handles[c].wait()

        @plsc.parallel_loop(c * _CHUNK, (c + 1) * _CHUNK, step=_NL, unroll=8)
        def _(off):
            h = x_v[pl.ds(off, _NL)].astype(jnp.uint32)
            h = h ^ (h >> jnp.uint32(16))
            h = h * jnp.uint32(0x85EBCA6B)
            h = h ^ (h >> jnp.uint32(13))
            h = h * jnp.uint32(0xC2B2AE35)
            h = h ^ (h >> jnp.uint32(16))
            x_v[pl.ds(off, _NL)] = (h % jnp.uint32(NUM_BINS)).astype(jnp.int32)

        out_handles.append(
            pltpu.async_copy(
                x_v.at[pl.ds(c * _CHUNK, _CHUNK)],
                out_hbm.at[pl.ds(base + c * _CHUNK, _CHUNK)],
                out_sems[c],
            )
        )
    for h in out_handles:
        h.wait()


def kernel(inputs):
    flat = inputs.reshape(_TOTAL)
    return _hash_sc(flat).reshape(inputs.shape)

# --- scband reference (transcript-rebuilt; emitter-appended) ---
"""Pipeline reference for scband-hashing-11536282157769 (READ-ONLY COPY).

The authoritative reference and input builder live on the scoring server;
editing this copy changes nothing except your own understanding.
"""

import jax, jax.numpy as jnp
import numpy as np

NUM_BINS = 100000


def _fingerprint32(x):
    # Faithful stand-in for tf.strings.to_hash_bucket_fast on stringified ints:
    # a deterministic 32-bit avalanche hash (murmur3 fmix32) of the integer id,
    # followed by modulo num_bins. Exact FarmHash64 of the decimal string is not
    # reproducible in pure jnp; this preserves the semantics (deterministic
    # uniform bucketing of ids into num_bins).
    h = x.astype(jnp.uint32)
    h = h ^ (h >> jnp.uint32(16))
    h = h * jnp.uint32(0x85EBCA6B)
    h = h ^ (h >> jnp.uint32(13))
    h = h * jnp.uint32(0xC2B2AE35)
    h = h ^ (h >> jnp.uint32(16))
    return h


def setup_inputs(seed: int = 0) -> dict:
    key = jax.random.key(seed)
    inputs = jax.random.randint(key, (16384, 26), 0, 1000000, dtype=jnp.int32)
    return {"inputs": inputs}


def reference(inputs):
    h = _fingerprint32(inputs)
    bucket = (h % jnp.uint32(NUM_BINS)).astype(jnp.int32)
    return bucket

if __name__ == "__main__":
    import jax
    _d = setup_inputs()
    print(jax.jit(kernel)(*tuple(_d.values())))

</pallas_src>

<mosaic_0001>
#map = affine_map<(d0, d1) -> (0)>
module attributes {stable_mosaic.version = 14 : i64} {
  func.func @_hash_sc(%arg0: i32, %arg1: i32, %arg2: memref<425984xi32, #tpu.memory_space<hbm>>, %arg3: memref<425984xi32, #tpu.memory_space<hbm>>, %arg4: memref<13312xi32, #tpu.memory_space<vmem>>, %arg5: memref<!tpu.dma_semaphore, #tpu.memory_space<semaphore_mem>>, %arg6: memref<!tpu.dma_semaphore, #tpu.memory_space<semaphore_mem>>, %arg7: memref<!tpu.dma_semaphore, #tpu.memory_space<semaphore_mem>>, %arg8: memref<!tpu.dma_semaphore, #tpu.memory_space<semaphore_mem>>, %arg9: memref<!tpu.dma_semaphore, #tpu.memory_space<semaphore_mem>>, %arg10: memref<!tpu.dma_semaphore, #tpu.memory_space<semaphore_mem>>, %arg11: memref<!tpu.dma_semaphore, #tpu.memory_space<semaphore_mem>>, %arg12: memref<!tpu.dma_semaphore, #tpu.memory_space<semaphore_mem>>) attributes {dimension_semantics = [#tpu.dimension_semantics<core_parallel>, #tpu.dimension_semantics<subcore_parallel>], iteration_bounds = array<i64: 2, 16>, scalar_prefetch = 0 : i64, scratch_operands = 9 : i64, tpu.core_type = #tpu.core_type<sc_vector_subcore>, window_params = [{transform_indices = #map}, {transform_indices = #map}]} {
    %mul3A = arith.constant 2 : i32
    %mul3A_0 = arith.muli %arg1, %mul3A : i32
    %add3A = arith.addi %mul3A_0, %arg0 : i32
    %mul3A_1 = arith.constant 13312 : i32
    %mul3A_2 = arith.muli %add3A, %mul3A_1 : i32
    %add3A_3 = arith.constant 0 : i32
    %add3A_4 = arith.addi %mul3A_2, %add3A_3 : i32
    %dma_start3A = arith.constant 0 : i32
    %dma_start3A_5 = tpu.memref_slice %arg4[%dma_start3A] : memref<13312xi32, #tpu.memory_space<vmem>> -> memref<3328xi32, #tpu.memory_space<vmem>>
    %dma_start3A_6 = tpu.memref_slice %arg2[%add3A_4] : memref<425984xi32, #tpu.memory_space<hbm>> -> memref<3328xi32, #tpu.memory_space<hbm>>
    %dma_start3A_7 = arith.constant 0 : i32
    %dma_start3A_8 = tpu.memref_slice %arg4[%dma_start3A_7] : memref<13312xi32, #tpu.memory_space<vmem>> -> memref<3328xi32, #tpu.memory_space<vmem>>
    %dma_start3A_9 = tpu.memref_slice %arg2[%add3A_4] : memref<425984xi32, #tpu.memory_space<hbm>> -> memref<3328xi32, #tpu.memory_space<hbm>>
    tpu.enqueue_dma source(%dma_start3A_9 : memref<3328xi32, #tpu.memory_space<hbm>>) target(%dma_start3A_8 : memref<3328xi32, #tpu.memory_space<vmem>>) target_semaphore(%arg5 : memref<!tpu.dma_semaphore, #tpu.memory_space<semaphore_mem>>)
    %add3A_10 = arith.constant 3328 : i32
    %add3A_11 = arith.addi %mul3A_2, %add3A_10 : i32
    %dma_start3A_12 = arith.constant 3328 : i32
    %dma_start3A_13 = tpu.memref_slice %arg4[%dma_start3A_12] : memref<13312xi32, #tpu.memory_space<vmem>> -> memref<3328xi32, #tpu.memory_space<vmem>>
    %dma_start3A_14 = tpu.memref_slice %arg2[%add3A_11] : memref<425984xi32, #tpu.memory_space<hbm>> -> memref<3328xi32, #tpu.memory_space<hbm>>
    %dma_start3A_15 = arith.constant 3328 : i32
    %dma_start3A_16 = tpu.memref_slice %arg4[%dma_start3A_15] : memref<13312xi32, #tpu.memory_space<vmem>> -> memref<3328xi32, #tpu.memory_space<vmem>>
    %dma_start3A_17 = tpu.memref_slice %arg2[%add3A_11] : memref<425984xi32, #tpu.memory_space<hbm>> -> memref<3328xi32, #tpu.memory_space<hbm>>
    tpu.enqueue_dma source(%dma_start3A_17 : memref<3328xi32, #tpu.memory_space<hbm>>) target(%dma_start3A_16 : memref<3328xi32, #tpu.memory_space<vmem>>) target_semaphore(%arg6 : memref<!tpu.dma_semaphore, #tpu.memory_space<semaphore_mem>>)
    %add3A_18 = arith.constant 6656 : i32
    %add3A_19 = arith.addi %mul3A_2, %add3A_18 : i32
    %dma_start3A_20 = arith.constant 6656 : i32
    %dma_start3A_21 = tpu.memref_slice %arg4[%dma_start3A_20] : memref<13312xi32, #tpu.memory_space<vmem>> -> memref<3328xi32, #tpu.memory_space<vmem>>
    %dma_start3A_22 = tpu.memref_slice %arg2[%add3A_19] : memref<425984xi32, #tpu.memory_space<hbm>> -> memref<3328xi32, #tpu.memory_space<hbm>>
    %dma_start3A_23 = arith.constant 6656 : i32
    %dma_start3A_24 = tpu.memref_slice %arg4[%dma_start3A_23] : memref<13312xi32, #tpu.memory_space<vmem>> -> memref<3328xi32, #tpu.memory_space<vmem>>
    %dma_start3A_25 = tpu.memref_slice %arg2[%add3A_19] : memref<425984xi32, #tpu.memory_space<hbm>> -> memref<3328xi32, #tpu.memory_space<hbm>>
    tpu.enqueue_dma source(%dma_start3A_25 : memref<3328xi32, #tpu.memory_space<hbm>>) target(%dma_start3A_24 : memref<3328xi32, #tpu.memory_space<vmem>>) target_semaphore(%arg7 : memref<!tpu.dma_semaphore, #tpu.memory_space<semaphore_mem>>)
    %add3A_26 = arith.constant 9984 : i32
    %add3A_27 = arith.addi %mul3A_2, %add3A_26 : i32
    %dma_start3A_28 = arith.constant 9984 : i32
    %dma_start3A_29 = tpu.memref_slice %arg4[%dma_start3A_28] : memref<13312xi32, #tpu.memory_space<vmem>> -> memref<3328xi32, #tpu.memory_space<vmem>>
    %dma_start3A_30 = tpu.memref_slice %arg2[%add3A_27] : memref<425984xi32, #tpu.memory_space<hbm>> -> memref<3328xi32, #tpu.memory_space<hbm>>
    %dma_start3A_31 = arith.constant 9984 : i32
    %dma_start3A_32 = tpu.memref_slice %arg4[%dma_start3A_31] : memref<13312xi32, #tpu.memory_space<vmem>> -> memref<3328xi32, #tpu.memory_space<vmem>>
    %dma_start3A_33 = tpu.memref_slice %arg2[%add3A_27] : memref<425984xi32, #tpu.memory_space<hbm>> -> memref<3328xi32, #tpu.memory_space<hbm>>
    tpu.enqueue_dma source(%dma_start3A_33 : memref<3328xi32, #tpu.memory_space<hbm>>) target(%dma_start3A_32 : memref<3328xi32, #tpu.memory_space<vmem>>) target_semaphore(%arg8 : memref<!tpu.dma_semaphore, #tpu.memory_space<semaphore_mem>>)
    %dma_wait3A = arith.constant 0 : i32
    %dma_wait3A_34 = tpu.memref_slice %arg4[%dma_wait3A] : memref<13312xi32, #tpu.memory_space<vmem>> -> memref<3328xi32, #tpu.memory_space<vmem>>
    %dma_wait3A_35 = tpu.memref_slice %arg2[%add3A_4] : memref<425984xi32, #tpu.memory_space<hbm>> -> memref<3328xi32, #tpu.memory_space<hbm>>
    %dma_wait3A_36 = arith.constant 0 : i32
    %dma_wait3A_37 = tpu.memref_slice %arg4[%dma_wait3A_36] : memref<13312xi32, #tpu.memory_space<vmem>> -> memref<3328xi32, #tpu.memory_space<vmem>>
    %dma_wait3A_38 = tpu.memref_slice %arg2[%add3A_4] : memref<425984xi32, #tpu.memory_space<hbm>> -> memref<3328xi32, #tpu.memory_space<hbm>>
    tpu.wait_dma2 semaphore(%arg5 : memref<!tpu.dma_semaphore, #tpu.memory_space<semaphore_mem>>) src(%dma_wait3A_38 : memref<3328xi32, #tpu.memory_space<hbm>>) dst(%dma_wait3A_37 : memref<3328xi32, #tpu.memory_space<vmem>>)
    %parallel_loop3A = arith.constant 0 : i32
    %parallel_loop3A_39 = arith.constant 3328 : i32
    %parallel_loop3A_40 = arith.constant 16 : i32
    scf.for %parallel_loop3A_124 = %parallel_loop3A to %parallel_loop3A_39 step %parallel_loop3A_40  : i32 {
      %parallel_loop3A_125 = arith.index_cast %parallel_loop3A_124 : i32 to index
      %parallel_loop3A_126 = tpu.vector_load %arg4[%parallel_loop3A_125] {strides = array<i32>} : memref<13312xi32, #tpu.memory_space<vmem>>, vector<16xi32>,
      %parallel_loop3A_127 = vector.shape_cast %parallel_loop3A_126 : vector<16xi32> to vector<16xi32>
      %parallel_loop3A_128 = arith.constant 16 : i32
      %parallel_loop3A_129 = vector.broadcast %parallel_loop3A_128 : i32 to vector<16xi32>
      %parallel_loop3A_130 = arith.shrui %parallel_loop3A_127, %parallel_loop3A_129 : vector<16xi32>
      %parallel_loop3A_131 = arith.xori %parallel_loop3A_127, %parallel_loop3A_130 : vector<16xi32>
      %parallel_loop3A_132 = arith.constant -2048144789 : i32
      %parallel_loop3A_133 = vector.broadcast %parallel_loop3A_132 : i32 to vector<16xi32>
      %parallel_loop3A_134 = arith.muli %parallel_loop3A_131, %parallel_loop3A_133 : vector<16xi32>
      %parallel_loop3A_135 = arith.constant 13 : i32
      %parallel_loop3A_136 = vector.broadcast %parallel_loop3A_135 : i32 to vector<16xi32>
      %parallel_loop3A_137 = arith.shrui %parallel_loop3A_134, %parallel_loop3A_136 : vector<16xi32>
      %parallel_loop3A_138 = arith.xori %parallel_loop3A_134, %parallel_loop3A_137 : vector<16xi32>
      %parallel_loop3A_139 = arith.constant -1028477387 : i32
      %parallel_loop3A_140 = vector.broadcast %parallel_loop3A_139 : i32 to vector<16xi32>
      %parallel_loop3A_141 = arith.muli %parallel_loop3A_138, %parallel_loop3A_140 : vector<16xi32>
      %parallel_loop3A_142 = arith.constant 16 : i32
      %parallel_loop3A_143 = vector.broadcast %parallel_loop3A_142 : i32 to vector<16xi32>
      %parallel_loop3A_144 = arith.shrui %parallel_loop3A_141, %parallel_loop3A_143 : vector<16xi32>
      %parallel_loop3A_145 = arith.xori %parallel_loop3A_141, %parallel_loop3A_144 : vector<16xi32>
      %parallel_loop3A_146 = arith.constant 100000 : i32
      %parallel_loop3A_147 = arith.constant 0 : i32
      %parallel_loop3A_148 = arith.cmpi eq, %parallel_loop3A_146, %parallel_loop3A_147 : i32
      %parallel_loop3A_149 = arith.constant 1 : i32
      %parallel_loop3A_150 = arith.select %parallel_loop3A_148, %parallel_loop3A_149, %parallel_loop3A_146 : i32
      %parallel_loop3A_151 = vector.broadcast %parallel_loop3A_150 : i32 to vector<16xi32>
      %parallel_loop3A_152 = arith.remui %parallel_loop3A_145, %parallel_loop3A_151 : vector<16xi32>
      %parallel_loop3A_153 = arith.constant 0 : i32
      %parallel_loop3A_154 = vector.broadcast %parallel_loop3A_153 : i32 to vector<16xi32>
      %parallel_loop3A_155 = arith.cmpi ne, %parallel_loop3A_152, %parallel_loop3A_154 : vector<16xi32>
      %parallel_loop3A_156 = arith.constant 0 : i32
      %parallel_loop3A_157 = vector.broadcast %parallel_loop3A_156 : i32 to vector<16xi32>
      %parallel_loop3A_158 = arith.cmpi ult, %parallel_loop3A_152, %parallel_loop3A_157 : vector<16xi32>
      %parallel_loop3A_159 = arith.constant 0 : i32
      %parallel_loop3A_160 = arith.cmpi ult, %parallel_loop3A_150, %parallel_loop3A_159 : i32
      %parallel_loop3A_161 = vector.broadcast %parallel_loop3A_160 : i1 to vector<16xi1>
      %parallel_loop3A_162 = vector.broadcast %parallel_loop3A_161 : vector<16xi1> to vector<16xi1>
      %parallel_loop3A_163 = arith.xori %parallel_loop3A_158, %parallel_loop3A_162 : vector<16xi1>
      %parallel_loop3A_164 = arith.andi %parallel_loop3A_163, %parallel_loop3A_155 : vector<16xi1>
      %parallel_loop3A_165 = vector.broadcast %parallel_loop3A_150 : i32 to vector<16xi32>
      %parallel_loop3A_166 = arith.addi %parallel_loop3A_152, %parallel_loop3A_165 : vector<16xi32>
      %parallel_loop3A_167 = arith.select %parallel_loop3A_164, %parallel_loop3A_166, %parallel_loop3A_152 : vector<16xi1>, vector<16xi32>
      %parallel_loop3A_168 = arith.index_cast %parallel_loop3A_124 : i32 to index
      %parallel_loop3A_169 = tpu.vector_load %arg4[%parallel_loop3A_168] {strides = array<i32>} : memref<13312xi32, #tpu.memory_space<vmem>>, vector<16xi32>,
      %parallel_loop3A_170 = vector.shape_cast %parallel_loop3A_169 : vector<16xi32> to vector<16xi32>
      %parallel_loop3A_171 = vector.shape_cast %parallel_loop3A_167 : vector<16xi32> to vector<16xi32>
      tpu.vector_store %arg4[%parallel_loop3A_168], %parallel_loop3A_171 {strides = array<i32>} : memref<13312xi32, #tpu.memory_space<vmem>>, vector<16xi32>,
    } {sc.loop_unroll_factor = 8 : i64, sc.parallel_access}
    %add3A_41 = arith.constant 0 : i32
    %add3A_42 = arith.addi %mul3A_2, %add3A_41 : i32
    %dma_start3A_43 = arith.constant 0 : i32
    %dma_start3A_44 = tpu.memref_slice %arg4[%dma_start3A_43] : memref<13312xi32, #tpu.memory_space<vmem>> -> memref<3328xi32, #tpu.memory_space<vmem>>
    %dma_start3A_45 = tpu.memref_slice %arg3[%add3A_42] : memref<425984xi32, #tpu.memory_space<hbm>> -> memref<3328xi32, #tpu.memory_space<hbm>>
    %dma_start3A_46 = tpu.memref_slice %arg3[%add3A_42] : memref<425984xi32, #tpu.memory_space<hbm>> -> memref<3328xi32, #tpu.memory_space<hbm>>
    %dma_start3A_47 = arith.constant 0 : i32
    %dma_start3A_48 = tpu.memref_slice %arg4[%dma_start3A_47] : memref<13312xi32, #tpu.memory_space<vmem>> -> memref<3328xi32, #tpu.memory_space<vmem>>
    tpu.enqueue_dma source(%dma_start3A_48 : memref<3328xi32, #tpu.memory_space<vmem>>) target(%dma_start3A_46 : memref<3328xi32, #tpu.memory_space<hbm>>) target_semaphore(%arg9 : memref<!tpu.dma_semaphore, #tpu.memory_space<semaphore_mem>>)
    %dma_wait3A_49 = arith.constant 3328 : i32
    %dma_wait3A_50 = tpu.memref_slice %arg4[%dma_wait3A_49] : memref<13312xi32, #tpu.memory_space<vmem>> -> memref<3328xi32, #tpu.memory_space<vmem>>
    %dma_wait3A_51 = tpu.memref_slice %arg2[%add3A_11] : memref<425984xi32, #tpu.memory_space<hbm>> -> memref<3328xi32, #tpu.memory_space<hbm>>
    %dma_wait3A_52 = arith.constant 3328 : i32
    %dma_wait3A_53 = tpu.memref_slice %arg4[%dma_wait3A_52] : memref<13312xi32, #tpu.memory_space<vmem>> -> memref<3328xi32, #tpu.memory_space<vmem>>
    %dma_wait3A_54 = tpu.memref_slice %arg2[%add3A_11] : memref<425984xi32, #tpu.memory_space<hbm>> -> memref<3328xi32, #tpu.memory_space<hbm>>
    tpu.wait_dma2 semaphore(%arg6 : memref<!tpu.dma_semaphore, #tpu.memory_space<semaphore_mem>>) src(%dma_wait3A_54 : memref<3328xi32, #tpu.memory_space<hbm>>) dst(%dma_wait3A_53 : memref<3328xi32, #tpu.memory_space<vmem>>)
    %parallel_loop3A_55 = arith.constant 3328 : i32
    %parallel_loop3A_56 = arith.constant 6656 : i32
    %parallel_loop3A_57 = arith.constant 16 : i32
    scf.for %parallel_loop3A_124 = %parallel_loop3A_55 to %parallel_loop3A_56 step %parallel_loop3A_57  : i32 {
      %parallel_loop3A_125 = arith.index_cast %parallel_loop3A_124 : i32 to index
      %parallel_loop3A_126 = tpu.vector_load %arg4[%parallel_loop3A_125] {strides = array<i32>} : memref<13312xi32, #tpu.memory_space<vmem>>, vector<16xi32>,
      %parallel_loop3A_127 = vector.shape_cast %parallel_loop3A_126 : vector<16xi32> to vector<16xi32>
      %parallel_loop3A_128 = arith.constant 16 : i32
      %parallel_loop3A_129 = vector.broadcast %parallel_loop3A_128 : i32 to vector<16xi32>
      %parallel_loop3A_130 = arith.shrui %parallel_loop3A_127, %parallel_loop3A_129 : vector<16xi32>
      %parallel_loop3A_131 = arith.xori %parallel_loop3A_127, %parallel_loop3A_130 : vector<16xi32>
      %parallel_loop3A_132 = arith.constant -2048144789 : i32
      %parallel_loop3A_133 = vector.broadcast %parallel_loop3A_132 : i32 to vector<16xi32>
      %parallel_loop3A_134 = arith.muli %parallel_loop3A_131, %parallel_loop3A_133 : vector<16xi32>
      %parallel_loop3A_135 = arith.constant 13 : i32
      %parallel_loop3A_136 = vector.broadcast %parallel_loop3A_135 : i32 to vector<16xi32>
      %parallel_loop3A_137 = arith.shrui %parallel_loop3A_134, %parallel_loop3A_136 : vector<16xi32>
      %parallel_loop3A_138 = arith.xori %parallel_loop3A_134, %parallel_loop3A_137 : vector<16xi32>
      %parallel_loop3A_139 = arith.constant -1028477387 : i32
      %parallel_loop3A_140 = vector.broadcast %parallel_loop3A_139 : i32 to vector<16xi32>
      %parallel_loop3A_141 = arith.muli %parallel_loop3A_138, %parallel_loop3A_140 : vector<16xi32>
      %parallel_loop3A_142 = arith.constant 16 : i32
      %parallel_loop3A_143 = vector.broadcast %parallel_loop3A_142 : i32 to vector<16xi32>
      %parallel_loop3A_144 = arith.shrui %parallel_loop3A_141, %parallel_loop3A_143 : vector<16xi32>
      %parallel_loop3A_145 = arith.xori %parallel_loop3A_141, %parallel_loop3A_144 : vector<16xi32>
      %parallel_loop3A_146 = arith.constant 100000 : i32
      %parallel_loop3A_147 = arith.constant 0 : i32
      %parallel_loop3A_148 = arith.cmpi eq, %parallel_loop3A_146, %parallel_loop3A_147 : i32
      %parallel_loop3A_149 = arith.constant 1 : i32
      %parallel_loop3A_150 = arith.select %parallel_loop3A_148, %parallel_loop3A_149, %parallel_loop3A_146 : i32
      %parallel_loop3A_151 = vector.broadcast %parallel_loop3A_150 : i32 to vector<16xi32>
      %parallel_loop3A_152 = arith.remui %parallel_loop3A_145, %parallel_loop3A_151 : vector<16xi32>
      %parallel_loop3A_153 = arith.constant 0 : i32
      %parallel_loop3A_154 = vector.broadcast %parallel_loop3A_153 : i32 to vector<16xi32>
      %parallel_loop3A_155 = arith.cmpi ne, %parallel_loop3A_152, %parallel_loop3A_154 : vector<16xi32>
      %parallel_loop3A_156 = arith.constant 0 : i32
      %parallel_loop3A_157 = vector.broadcast %parallel_loop3A_156 : i32 to vector<16xi32>
      %parallel_loop3A_158 = arith.cmpi ult, %parallel_loop3A_152, %parallel_loop3A_157 : vector<16xi32>
      %parallel_loop3A_159 = arith.constant 0 : i32
      %parallel_loop3A_160 = arith.cmpi ult, %parallel_loop3A_150, %parallel_loop3A_159 : i32
      %parallel_loop3A_161 = vector.broadcast %parallel_loop3A_160 : i1 to vector<16xi1>
      %parallel_loop3A_162 = vector.broadcast %parallel_loop3A_161 : vector<16xi1> to vector<16xi1>
      %parallel_loop3A_163 = arith.xori %parallel_loop3A_158, %parallel_loop3A_162 : vector<16xi1>
      %parallel_loop3A_164 = arith.andi %parallel_loop3A_163, %parallel_loop3A_155 : vector<16xi1>
      %parallel_loop3A_165 = vector.broadcast %parallel_loop3A_150 : i32 to vector<16xi32>
      %parallel_loop3A_166 = arith.addi %parallel_loop3A_152, %parallel_loop3A_165 : vector<16xi32>
      %parallel_loop3A_167 = arith.select %parallel_loop3A_164, %parallel_loop3A_166, %parallel_loop3A_152 : vector<16xi1>, vector<16xi32>
      %parallel_loop3A_168 = arith.index_cast %parallel_loop3A_124 : i32 to index
      %parallel_loop3A_169 = tpu.vector_load %arg4[%parallel_loop3A_168] {strides = array<i32>} : memref<13312xi32, #tpu.memory_space<vmem>>, vector<16xi32>,
      %parallel_loop3A_170 = vector.shape_cast %parallel_loop3A_169 : vector<16xi32> to vector<16xi32>
      %parallel_loop3A_171 = vector.shape_cast %parallel_loop3A_167 : vector<16xi32> to vector<16xi32>
      tpu.vector_store %arg4[%parallel_loop3A_168], %parallel_loop3A_171 {strides = array<i32>} : memref<13312xi32, #tpu.memory_space<vmem>>, vector<16xi32>,
    } {sc.loop_unroll_factor = 8 : i64, sc.parallel_access}
    %add3A_58 = arith.constant 3328 : i32
    %add3A_59 = arith.addi %mul3A_2, %add3A_58 : i32
    %dma_start3A_60 = arith.constant 3328 : i32
    %dma_start3A_61 = tpu.memref_slice %arg4[%dma_start3A_60] : memref<13312xi32, #tpu.memory_space<vmem>> -> memref<3328xi32, #tpu.memory_space<vmem>>
    %dma_start3A_62 = tpu.memref_slice %arg3[%add3A_59] : memref<425984xi32, #tpu.memory_space<hbm>> -> memref<3328xi32, #tpu.memory_space<hbm>>
    %dma_start3A_63 = tpu.memref_slice %arg3[%add3A_59] : memref<425984xi32, #tpu.memory_space<hbm>> -> memref<3328xi32, #tpu.memory_space<hbm>>
    %dma_start3A_64 = arith.constant 3328 : i32
    %dma_start3A_65 = tpu.memref_slice %arg4[%dma_start3A_64] : memref<13312xi32, #tpu.memory_space<vmem>> -> memref<3328xi32, #tpu.memory_space<vmem>>
    tpu.enqueue_dma source(%dma_start3A_65 : memref<3328xi32, #tpu.memory_space<vmem>>) target(%dma_start3A_63 : memref<3328xi32, #tpu.memory_space<hbm>>) target_semaphore(%arg10 : memref<!tpu.dma_semaphore, #tpu.memory_space<semaphore_mem>>)
    %dma_wait3A_66 = arith.constant 6656 : i32
    %dma_wait3A_67 = tpu.memref_slice %arg4[%dma_wait3A_66] : memref<13312xi32, #tpu.memory_space<vmem>> -> memref<3328xi32, #tpu.memory_space<vmem>>
    %dma_wait3A_68 = tpu.memref_slice %arg2[%add3A_19] : memref<425984xi32, #tpu.memory_space<hbm>> -> memref<3328xi32, #tpu.memory_space<hbm>>
    %dma_wait3A_69 = arith.constant 6656 : i32
    %dma_wait3A_70 = tpu.memref_slice %arg4[%dma_wait3A_69] : memref<13312xi32, #tpu.memory_space<vmem>> -> memref<3328xi32, #tpu.memory_space<vmem>>
    %dma_wait3A_71 = tpu.memref_slice %arg2[%add3A_19] : memref<425984xi32, #tpu.memory_space<hbm>> -> memref<3328xi32, #tpu.memory_space<hbm>>
    tpu.wait_dma2 semaphore(%arg7 : memref<!tpu.dma_semaphore, #tpu.memory_space<semaphore_mem>>) src(%dma_wait3A_71 : memref<3328xi32, #tpu.memory_space<hbm>>) dst(%dma_wait3A_70 : memref<3328xi32, #tpu.memory_space<vmem>>)
    %parallel_loop3A_72 = arith.constant 6656 : i32
    %parallel_loop3A_73 = arith.constant 9984 : i32
    %parallel_loop3A_74 = arith.constant 16 : i32
    scf.for %parallel_loop3A_124 = %parallel_loop3A_72 to %parallel_loop3A_73 step %parallel_loop3A_74  : i32 {
      %parallel_loop3A_125 = arith.index_cast %parallel_loop3A_124 : i32 to index
      %parallel_loop3A_126 = tpu.vector_load %arg4[%parallel_loop3A_125] {strides = array<i32>} : memref<13312xi32, #tpu.memory_space<vmem>>, vector<16xi32>,
      %parallel_loop3A_127 = vector.shape_cast %parallel_loop3A_126 : vector<16xi32> to vector<16xi32>
      %parallel_loop3A_128 = arith.constant 16 : i32
      %parallel_loop3A_129 = vector.broadcast %parallel_loop3A_128 : i32 to vector<16xi32>
      %parallel_loop3A_130 = arith.shrui %parallel_loop3A_127, %parallel_loop3A_129 : vector<16xi32>
      %parallel_loop3A_131 = arith.xori %parallel_loop3A_127, %parallel_loop3A_130 : vector<16xi32>
      %parallel_loop3A_132 = arith.constant -2048144789 : i32
      %parallel_loop3A_133 = vector.broadcast %parallel_loop3A_132 : i32 to vector<16xi32>
      %parallel_loop3A_134 = arith.muli %parallel_loop3A_131, %parallel_loop3A_133 : vector<16xi32>
      %parallel_loop3A_135 = arith.constant 13 : i32
      %parallel_loop3A_136 = vector.broadcast %parallel_loop3A_135 : i32 to vector<16xi32>
      %parallel_loop3A_137 = arith.shrui %parallel_loop3A_134, %parallel_loop3A_136 : vector<16xi32>
      %parallel_loop3A_138 = arith.xori %parallel_loop3A_134, %parallel_loop3A_137 : vector<16xi32>
      %parallel_loop3A_139 = arith.constant -1028477387 : i32
      %parallel_loop3A_140 = vector.broadcast %parallel_loop3A_139 : i32 to vector<16xi32>
      %parallel_loop3A_141 = arith.muli %parallel_loop3A_138, %parallel_loop3A_140 : vector<16xi32>
      %parallel_loop3A_142 = arith.constant 16 : i32
      %parallel_loop3A_143 = vector.broadcast %parallel_loop3A_142 : i32 to vector<16xi32>
      %parallel_loop3A_144 = arith.shrui %parallel_loop3A_141, %parallel_loop3A_143 : vector<16xi32>
      %parallel_loop3A_145 = arith.xori %parallel_loop3A_141, %parallel_loop3A_144 : vector<16xi32>
      %parallel_loop3A_146 = arith.constant 100000 : i32
      %parallel_loop3A_147 = arith.constant 0 : i32
      %parallel_loop3A_148 = arith.cmpi eq, %parallel_loop3A_146, %parallel_loop3A_147 : i32
      %parallel_loop3A_149 = arith.constant 1 : i32
      %parallel_loop3A_150 = arith.select %parallel_loop3A_148, %parallel_loop3A_149, %parallel_loop3A_146 : i32
      %parallel_loop3A_151 = vector.broadcast %parallel_loop3A_150 : i32 to vector<16xi32>
      %parallel_loop3A_152 = arith.remui %parallel_loop3A_145, %parallel_loop3A_151 : vector<16xi32>
      %parallel_loop3A_153 = arith.constant 0 : i32
      %parallel_loop3A_154 = vector.broadcast %parallel_loop3A_153 : i32 to vector<16xi32>
      %parallel_loop3A_155 = arith.cmpi ne, %parallel_loop3A_152, %parallel_loop3A_154 : vector<16xi32>
      %parallel_loop3A_156 = arith.constant 0 : i32
      %parallel_loop3A_157 = vector.broadcast %parallel_loop3A_156 : i32 to vector<16xi32>
      %parallel_loop3A_158 = arith.cmpi ult, %parallel_loop3A_152, %parallel_loop3A_157 : vector<16xi32>
      %parallel_loop3A_159 = arith.constant 0 : i32
      %parallel_loop3A_160 = arith.cmpi ult, %parallel_loop3A_150, %parallel_loop3A_159 : i32
      %parallel_loop3A_161 = vector.broadcast %parallel_loop3A_160 : i1 to vector<16xi1>
      %parallel_loop3A_162 = vector.broadcast %parallel_loop3A_161 : vector<16xi1> to vector<16xi1>
      %parallel_loop3A_163 = arith.xori %parallel_loop3A_158, %parallel_loop3A_162 : vector<16xi1>
      %parallel_loop3A_164 = arith.andi %parallel_loop3A_163, %parallel_loop3A_155 : vector<16xi1>
      %parallel_loop3A_165 = vector.broadcast %parallel_loop3A_150 : i32 to vector<16xi32>
      %parallel_loop3A_166 = arith.addi %parallel_loop3A_152, %parallel_loop3A_165 : vector<16xi32>
      %parallel_loop3A_167 = arith.select %parallel_loop3A_164, %parallel_loop3A_166, %parallel_loop3A_152 : vector<16xi1>, vector<16xi32>
      %parallel_loop3A_168 = arith.index_cast %parallel_loop3A_124 : i32 to index
      %parallel_loop3A_169 = tpu.vector_load %arg4[%parallel_loop3A_168] {strides = array<i32>} : memref<13312xi32, #tpu.memory_space<vmem>>, vector<16xi32>,
      %parallel_loop3A_170 = vector.shape_cast %parallel_loop3A_169 : vector<16xi32> to vector<16xi32>
      %parallel_loop3A_171 = vector.shape_cast %parallel_loop3A_167 : vector<16xi32> to vector<16xi32>
      tpu.vector_store %arg4[%parallel_loop3A_168], %parallel_loop3A_171 {strides = array<i32>} : memref<13312xi32, #tpu.memory_space<vmem>>, vector<16xi32>,
    } {sc.loop_unroll_factor = 8 : i64, sc.parallel_access}
    %add3A_75 = arith.constant 6656 : i32
    %add3A_76 = arith.addi %mul3A_2, %add3A_75 : i32
    %dma_start3A_77 = arith.constant 6656 : i32
    %dma_start3A_78 = tpu.memref_slice %arg4[%dma_start3A_77] : memref<13312xi32, #tpu.memory_space<vmem>> -> memref<3328xi32, #tpu.memory_space<vmem>>
    %dma_start3A_79 = tpu.memref_slice %arg3[%add3A_76] : memref<425984xi32, #tpu.memory_space<hbm>> -> memref<3328xi32, #tpu.memory_space<hbm>>
    %dma_start3A_80 = tpu.memref_slice %arg3[%add3A_76] : memref<425984xi32, #tpu.memory_space<hbm>> -> memref<3328xi32, #tpu.memory_space<hbm>>
    %dma_start3A_81 = arith.constant 6656 : i32
    %dma_start3A_82 = tpu.memref_slice %arg4[%dma_start3A_81] : memref<13312xi32, #tpu.memory_space<vmem>> -> memref<3328xi32, #tpu.memory_space<vmem>>
    tpu.enqueue_dma source(%dma_start3A_82 : memref<3328xi32, #tpu.memory_space<vmem>>) target(%dma_start3A_80 : memref<3328xi32, #tpu.memory_space<hbm>>) target_semaphore(%arg11 : memref<!tpu.dma_semaphore, #tpu.memory_space<semaphore_mem>>)
    %dma_wait3A_83 = arith.constant 9984 : i32
    %dma_wait3A_84 = tpu.memref_slice %arg4[%dma_wait3A_83] : memref<13312xi32, #tpu.memory_space<vmem>> -> memref<3328xi32, #tpu.memory_space<vmem>>
    %dma_wait3A_85 = tpu.memref_slice %arg2[%add3A_27] : memref<425984xi32, #tpu.memory_space<hbm>> -> memref<3328xi32, #tpu.memory_space<hbm>>
    %dma_wait3A_86 = arith.constant 9984 : i32
    %dma_wait3A_87 = tpu.memref_slice %arg4[%dma_wait3A_86] : memref<13312xi32, #tpu.memory_space<vmem>> -> memref<3328xi32, #tpu.memory_space<vmem>>
    %dma_wait3A_88 = tpu.memref_slice %arg2[%add3A_27] : memref<425984xi32, #tpu.memory_space<hbm>> -> memref<3328xi32, #tpu.memory_space<hbm>>
    tpu.wait_dma2 semaphore(%arg8 : memref<!tpu.dma_semaphore, #tpu.memory_space<semaphore_mem>>) src(%dma_wait3A_88 : memref<3328xi32, #tpu.memory_space<hbm>>) dst(%dma_wait3A_87 : memref<3328xi32, #tpu.memory_space<vmem>>)
    %parallel_loop3A_89 = arith.constant 9984 : i32
    %parallel_loop3A_90 = arith.constant 13312 : i32
    %parallel_loop3A_91 = arith.constant 16 : i32
    scf.for %parallel_loop3A_124 = %parallel_loop3A_89 to %parallel_loop3A_90 step %parallel_loop3A_91  : i32 {
      %parallel_loop3A_125 = arith.index_cast %parallel_loop3A_124 : i32 to index
      %parallel_loop3A_126 = tpu.vector_load %arg4[%parallel_loop3A_125] {strides = array<i32>} : memref<13312xi32, #tpu.memory_space<vmem>>, vector<16xi32>,
      %parallel_loop3A_127 = vector.shape_cast %parallel_loop3A_126 : vector<16xi32> to vector<16xi32>
      %parallel_loop3A_128 = arith.constant 16 : i32
      %parallel_loop3A_129 = vector.broadcast %parallel_loop3A_128 : i32 to vector<16xi32>
      %parallel_loop3A_130 = arith.shrui %parallel_loop3A_127, %parallel_loop3A_129 : vector<16xi32>
      %parallel_loop3A_131 = arith.xori %parallel_loop3A_127, %parallel_loop3A_130 : vector<16xi32>
      %parallel_loop3A_132 = arith.constant -2048144789 : i32
      %parallel_loop3A_133 = vector.broadcast %parallel_loop3A_132 : i32 to vector<16xi32>
      %parallel_loop3A_134 = arith.muli %parallel_loop3A_131, %parallel_loop3A_133 : vector<16xi32>
      %parallel_loop3A_135 = arith.constant 13 : i32
      %parallel_loop3A_136 = vector.broadcast %parallel_loop3A_135 : i32 to vector<16xi32>
      %parallel_loop3A_137 = arith.shrui %parallel_loop3A_134, %parallel_loop3A_136 : vector<16xi32>
      %parallel_loop3A_138 = arith.xori %parallel_loop3A_134, %parallel_loop3A_137 : vector<16xi32>
      %parallel_loop3A_139 = arith.constant -1028477387 : i32
      %parallel_loop3A_140 = vector.broadcast %parallel_loop3A_139 : i32 to vector<16xi32>
      %parallel_loop3A_141 = arith.muli %parallel_loop3A_138, %parallel_loop3A_140 : vector<16xi32>
      %parallel_loop3A_142 = arith.constant 16 : i32
      %parallel_loop3A_143 = vector.broadcast %parallel_loop3A_142 : i32 to vector<16xi32>
      %parallel_loop3A_144 = arith.shrui %parallel_loop3A_141, %parallel_loop3A_143 : vector<16xi32>
      %parallel_loop3A_145 = arith.xori %parallel_loop3A_141, %parallel_loop3A_144 : vector<16xi32>
      %parallel_loop3A_146 = arith.constant 100000 : i32
      %parallel_loop3A_147 = arith.constant 0 : i32
      %parallel_loop3A_148 = arith.cmpi eq, %parallel_loop3A_146, %parallel_loop3A_147 : i32
      %parallel_loop3A_149 = arith.constant 1 : i32
      %parallel_loop3A_150 = arith.select %parallel_loop3A_148, %parallel_loop3A_149, %parallel_loop3A_146 : i32
      %parallel_loop3A_151 = vector.broadcast %parallel_loop3A_150 : i32 to vector<16xi32>
      %parallel_loop3A_152 = arith.remui %parallel_loop3A_145, %parallel_loop3A_151 : vector<16xi32>
      %parallel_loop3A_153 = arith.constant 0 : i32
      %parallel_loop3A_154 = vector.broadcast %parallel_loop3A_153 : i32 to vector<16xi32>
      %parallel_loop3A_155 = arith.cmpi ne, %parallel_loop3A_152, %parallel_loop3A_154 : vector<16xi32>
      %parallel_loop3A_156 = arith.constant 0 : i32
      %parallel_loop3A_157 = vector.broadcast %parallel_loop3A_156 : i32 to vector<16xi32>
      %parallel_loop3A_158 = arith.cmpi ult, %parallel_loop3A_152, %parallel_loop3A_157 : vector<16xi32>
      %parallel_loop3A_159 = arith.constant 0 : i32
      %parallel_loop3A_160 = arith.cmpi ult, %parallel_loop3A_150, %parallel_loop3A_159 : i32
      %parallel_loop3A_161 = vector.broadcast %parallel_loop3A_160 : i1 to vector<16xi1>
      %parallel_loop3A_162 = vector.broadcast %parallel_loop3A_161 : vector<16xi1> to vector<16xi1>
      %parallel_loop3A_163 = arith.xori %parallel_loop3A_158, %parallel_loop3A_162 : vector<16xi1>
      %parallel_loop3A_164 = arith.andi %parallel_loop3A_163, %parallel_loop3A_155 : vector<16xi1>
      %parallel_loop3A_165 = vector.broadcast %parallel_loop3A_150 : i32 to vector<16xi32>
      %parallel_loop3A_166 = arith.addi %parallel_loop3A_152, %parallel_loop3A_165 : vector<16xi32>
      %parallel_loop3A_167 = arith.select %parallel_loop3A_164, %parallel_loop3A_166, %parallel_loop3A_152 : vector<16xi1>, vector<16xi32>
      %parallel_loop3A_168 = arith.index_cast %parallel_loop3A_124 : i32 to index
      %parallel_loop3A_169 = tpu.vector_load %arg4[%parallel_loop3A_168] {strides = array<i32>} : memref<13312xi32, #tpu.memory_space<vmem>>, vector<16xi32>,
      %parallel_loop3A_170 = vector.shape_cast %parallel_loop3A_169 : vector<16xi32> to vector<16xi32>
      %parallel_loop3A_171 = vector.shape_cast %parallel_loop3A_167 : vector<16xi32> to vector<16xi32>
      tpu.vector_store %arg4[%parallel_loop3A_168], %parallel_loop3A_171 {strides = array<i32>} : memref<13312xi32, #tpu.memory_space<vmem>>, vector<16xi32>,
    } {sc.loop_unroll_factor = 8 : i64, sc.parallel_access}
    %add3A_92 = arith.constant 9984 : i32
    %add3A_93 = arith.addi %mul3A_2, %add3A_92 : i32
    %dma_start3A_94 = arith.constant 9984 : i32
    %dma_start3A_95 = tpu.memref_slice %arg4[%dma_start3A_94] : memref<13312xi32, #tpu.memory_space<vmem>> -> memref<3328xi32, #tpu.memory_space<vmem>>
    %dma_start3A_96 = tpu.memref_slice %arg3[%add3A_93] : memref<425984xi32, #tpu.memory_space<hbm>> -> memref<3328xi32, #tpu.memory_space<hbm>>
    %dma_start3A_97 = tpu.memref_slice %arg3[%add3A_93] : memref<425984xi32, #tpu.memory_space<hbm>> -> memref<3328xi32, #tpu.memory_space<hbm>>
    %dma_start3A_98 = arith.constant 9984 : i32
    %dma_start3A_99 = tpu.memref_slice %arg4[%dma_start3A_98] : memref<13312xi32, #tpu.memory_space<vmem>> -> memref<3328xi32, #tpu.memory_space<vmem>>
    tpu.enqueue_dma source(%dma_start3A_99 : memref<3328xi32, #tpu.memory_space<vmem>>) target(%dma_start3A_97 : memref<3328xi32, #tpu.memory_space<hbm>>) target_semaphore(%arg12 : memref<!tpu.dma_semaphore, #tpu.memory_space<semaphore_mem>>)
    %dma_wait3A_100 = arith.constant 0 : i32
    %dma_wait3A_101 = tpu.memref_slice %arg4[%dma_wait3A_100] : memref<13312xi32, #tpu.memory_space<vmem>> -> memref<3328xi32, #tpu.memory_space<vmem>>
    %dma_wait3A_102 = tpu.memref_slice %arg3[%add3A_42] : memref<425984xi32, #tpu.memory_space<hbm>> -> memref<3328xi32, #tpu.memory_space<hbm>>
    %dma_wait3A_103 = tpu.memref_slice %arg3[%add3A_42] : memref<425984xi32, #tpu.memory_space<hbm>> -> memref<3328xi32, #tpu.memory_space<hbm>>
    %dma_wait3A_104 = arith.constant 0 : i32
    %dma_wait3A_105 = tpu.memref_slice %arg4[%dma_wait3A_104] : memref<13312xi32, #tpu.memory_space<vmem>> -> memref<3328xi32, #tpu.memory_space<vmem>>
    tpu.wait_dma2 semaphore(%arg9 : memref<!tpu.dma_semaphore, #tpu.memory_space<semaphore_mem>>) src(%dma_wait3A_105 : memref<3328xi32, #tpu.memory_space<vmem>>) dst(%dma_wait3A_103 : memref<3328xi32, #tpu.memory_space<hbm>>)
    %dma_wait3A_106 = arith.constant 3328 : i32
    %dma_wait3A_107 = tpu.memref_slice %arg4[%dma_wait3A_106] : memref<13312xi32, #tpu.memory_space<vmem>> -> memref<3328xi32, #tpu.memory_space<vmem>>
    %dma_wait3A_108 = tpu.memref_slice %arg3[%add3A_59] : memref<425984xi32, #tpu.memory_space<hbm>> -> memref<3328xi32, #tpu.memory_space<hbm>>
    %dma_wait3A_109 = tpu.memref_slice %arg3[%add3A_59] : memref<425984xi32, #tpu.memory_space<hbm>> -> memref<3328xi32, #tpu.memory_space<hbm>>
    %dma_wait3A_110 = arith.constant 3328 : i32
    %dma_wait3A_111 = tpu.memref_slice %arg4[%dma_wait3A_110] : memref<13312xi32, #tpu.memory_space<vmem>> -> memref<3328xi32, #tpu.memory_space<vmem>>
    tpu.wait_dma2 semaphore(%arg10 : memref<!tpu.dma_semaphore, #tpu.memory_space<semaphore_mem>>) src(%dma_wait3A_111 : memref<3328xi32, #tpu.memory_space<vmem>>) dst(%dma_wait3A_109 : memref<3328xi32, #tpu.memory_space<hbm>>)
    %dma_wait3A_112 = arith.constant 6656 : i32
    %dma_wait3A_113 = tpu.memref_slice %arg4[%dma_wait3A_112] : memref<13312xi32, #tpu.memory_space<vmem>> -> memref<3328xi32, #tpu.memory_space<vmem>>
    %dma_wait3A_114 = tpu.memref_slice %arg3[%add3A_76] : memref<425984xi32, #tpu.memory_space<hbm>> -> memref<3328xi32, #tpu.memory_space<hbm>>
    %dma_wait3A_115 = tpu.memref_slice %arg3[%add3A_76] : memref<425984xi32, #tpu.memory_space<hbm>> -> memref<3328xi32, #tpu.memory_space<hbm>>
    %dma_wait3A_116 = arith.constant 6656 : i32
    %dma_wait3A_117 = tpu.memref_slice %arg4[%dma_wait3A_116] : memref<13312xi32, #tpu.memory_space<vmem>> -> memref<3328xi32, #tpu.memory_space<vmem>>
    tpu.wait_dma2 semaphore(%arg11 : memref<!tpu.dma_semaphore, #tpu.memory_space<semaphore_mem>>) src(%dma_wait3A_117 : memref<3328xi32, #tpu.memory_space<vmem>>) dst(%dma_wait3A_115 : memref<3328xi32, #tpu.memory_space<hbm>>)
    %dma_wait3A_118 = arith.constant 9984 : i32
    %dma_wait3A_119 = tpu.memref_slice %arg4[%dma_wait3A_118] : memref<13312xi32, #tpu.memory_space<vmem>> -> memref<3328xi32, #tpu.memory_space<vmem>>
    %dma_wait3A_120 = tpu.memref_slice %arg3[%add3A_93] : memref<425984xi32, #tpu.memory_space<hbm>> -> memref<3328xi32, #tpu.memory_space<hbm>>
    %dma_wait3A_121 = tpu.memref_slice %arg3[%add3A_93] : memref<425984xi32, #tpu.memory_space<hbm>> -> memref<3328xi32, #tpu.memory_space<hbm>>
    %dma_wait3A_122 = arith.constant 9984 : i32
    %dma_wait3A_123 = tpu.memref_slice %arg4[%dma_wait3A_122] : memref<13312xi32, #tpu.memory_space<vmem>> -> memref<3328xi32, #tpu.memory_space<vmem>>
    tpu.wait_dma2 semaphore(%arg12 : memref<!tpu.dma_semaphore, #tpu.memory_space<semaphore_mem>>) src(%dma_wait3A_123 : memref<3328xi32, #tpu.memory_space<vmem>>) dst(%dma_wait3A_121 : memref<3328xi32, #tpu.memory_space<hbm>>)
    return
  }
}

</mosaic_0001>

<sc_bundles>
// kernel: kernel.3.cloned.1.call-start
scs
__scs_entry_jumppad:
0x0: {  	(pc) =	sbr.rel $0x88, $3  }
0x1: {  	(tag) =	ssettag $0x0;
	lr =	simm.s32 $0x1  }
0x2: {  	[smem:$0x3FA0] =	sst lr;
	_ =	strace $0xD0000000  }
0x3: {  	_ = 	snop  }
0x4: {  	_ = 	snop  }
0x5: {  	_ = 	snop  }
0x6: {  	_ = 	snop  }
0x7: {  	_ = 	snop  }
__scs_overlays_trampoline_lowered:
0x8: {  	[smem:$0x3FAF] =	sst s0  }
0x9: {  	[smem:$0x3FB0] =	sst s1  }
0xa: {  	[smem:$0x3FB1] =	sst s2  }
0xb: {  	[smem:$0x3FB2] =	sst s3  }
0xc: {  	[smem:$0x3FB3] =	sst s4  }
0xd: {  	[smem:$0x3FB4] =	sst s5  }
0xe: {  	[smem:$0x3FB5] =	sst s6  }
0xf: {  	[smem:$0x3FB6] =	sst s7  }
0x10: {  	[smem:$0x3FB7] =	sst s8  }
0x11: {  	[smem:$0x3FB8] =	sst s9;
	s0 =	simm.s32 @!p0 $0x0  }
0x12: {  	s1 =	sld [smem:$0x3F9E];
	s0 =	simm.s32 @p0 $0x1  }
0x13: {  	[smem:$0x3FB9] =	sst s0;
	s0 =	simm.s32 @!p1 $0x0  }
0x14: {  	s2 =	sld [smem:$0x3F9D];
	s0 =	simm.s32 @p1 $0x1  }
0x15: {  	[smem:$0x3FBA] =	sst s0;
	s0 =	simm.s32 @!p2 $0x0  }
0x16: {  	s3 =	sld [smem:$0x3FDB];
	s0 =	simm.s32 @p2 $0x1  }
0x17: {  	s4 =	simm.s32 $0x1BF5;
	[smem:$0x3FBC] =	sst s0  }
0x18: {  	s0 =	sld [smem:$0x3F9F];
	_ =	swait.ge [sflag:s4], $0x0  }
0x19: {  	s7 =	sld [smem:$0x3FA0]  }
0x1a: {  	s8 =	sadd.s32 $0xFFFFE003, lr  }
0x1b: {  	s9 =	sadd.s32 $0xFFFFFEF7, lr;
	s5 =	simm.s32 $0xFFFFFFFF;
	p2 =	slt.u32 s8, $0xFFFFF086  }
0x1c: {  	p1 =	slt.u32 s9, $0xF7A;
	s5 =	simm.s32 @!p2 $0x0  }
0x1d: {  	s5 =	simm.s32 @p1 $0x1;
	p0 =	seq.s32 s7, s2  }
0x1e: {  	s7 =	smul.u32 @!p0 $0xF7A, s2;
	p2 =	seq.s32 @!p0 s5, $0x0  }
0x1f: {  	s9 =	smul.u32 $0xF7A, s1;
	s8 =	simm.s32 @!p0 $0x1BF5;
	p2 =	por !p2, p0  }
0x20: {  	[sflag:s8] =	ssyncset.s32 @!p0 $0xFFFFF086;
	s6 =	sadd.s32 @!p0 s3, s7;
	s7 =	simm.s32 @!p0 $0x108  }
0x21: {  	s3 =	sadd.s32 s3, s9;
	s6 =	sadd.s32 @!p0 $0x88, s6;
	s7 =	simm.s32 @p2 $0x1082  }
0x22: {  	[simem:s7], [sflag:s8] =	dma.local @!p0 [hbm:s6], $0xF7A  }
0x23: {  	s9 =	sor.u32 $0xD0000000, s2;
	s6 =	simm.s32 $0x108;
	_ =	swait.ge @!p0 [sflag:s8], $0x0  }
0x24: {  	s3 =	sadd.s32 $0x88, s3;
	s6 =	simm.s32 @!p1 $0x1082;
	[sflag:s4] =	ssyncset.s32 $0xFFFFF086  }
0x25: {  	[simem:s6], [sflag:s4] =	dma.local [hbm:s3], $0xF7A  }
0x26: {  	[smem:$0x3FA0] =	sst s1;
	(tag) =	ssettag s2;
	_ =	strace s9  }
0x27: {  	s1 =	sld [smem:$0x3FB0]  }
0x28: {  	s2 =	sld [smem:$0x3FB1]  }
0x29: {  	s4 =	sld [smem:$0x3FB3]  }
0x2a: {  	p0 =	seq.s32 s5, $0x0;
	s5 =	sld [smem:$0x3FB4]  }
0x2b: {  	s6 =	sld [smem:$0x3FB5]  }
0x2c: {  	s7 =	sld [smem:$0x3FB6]  }
0x2d: {  	s3 =	simm.s32 $0x108;
	s8 =	sld [smem:$0x3FB7]  }
0x2e: {  	s3 =	simm.s32 @!p0 $0x1082;
	s9 =	sld [smem:$0x3FB8]  }
0x2f: {  	lr =	sadd.s32 s0, s3;
	s0 =	sld [smem:$0x3FAF]  }
0x30: {  	s3 =	sld [smem:$0x3FB2]  }
0x31: {  	[smem:$0x3FBB] =	sst s10  }
0x32: {  	s10 =	sld [smem:$0x3FB9];
	_ =	sdelay $0x3  }
0x33: {  	p0 =	seq.s32 s10, $0x1;
	s10 =	sld [smem:$0x3FBB];
	_ =	sdelay $0x3  }
0x34: {  	[smem:$0x3FBB] =	sst s10  }
0x35: {  	s10 =	sld [smem:$0x3FBA];
	_ =	sdelay $0x3  }
0x36: {  	p1 =	seq.s32 s10, $0x1;
	s10 =	sld [smem:$0x3FBB];
	_ =	sdelay $0x3  }
0x37: {  	[smem:$0x3FBB] =	sst s10  }
0x38: {  	s10 =	sld [smem:$0x3FBC]  }
0x39: {  	_ = 	snop;
	(pc) =	sbr.ind lr, $3  }
0x3a: {  	_ = 	snop  }
0x3b: {  	_ = 	snop  }
0x3c: {  	p2 =	seq.s32 s10, $0x1;
	s10 =	sld [smem:$0x3FBB]  }
0x3d: {  	_ =	shalt  }
0x3e: {  	_ =	shalt  }
0x3f: {  	_ =	shalt  }
0x40: {  	_ =	shalt  }
0x41: {  	_ =	shalt  }
0x42: {  	_ =	shalt  }
0x43: {  	_ =	shalt  }
0x44: {  	_ =	shalt  }
0x45: {  	_ =	shalt  }
0x46: {  	_ =	shalt  }
0x47: {  	_ =	shalt  }
0x48: {  	_ =	shalt  }
0x49: {  	_ =	shalt  }
0x4a: {  	_ =	shalt  }
0x4b: {  	_ =	shalt  }
0x4c: {  	_ =	shalt  }
0x4d: {  	_ =	shalt  }
0x4e: {  	_ =	shalt  }
0x4f: {  	_ =	shalt  }
0x50: {  	_ =	shalt  }
0x51: {  	_ =	shalt  }
0x52: {  	_ =	shalt  }
0x53: {  	_ =	shalt  }
0x54: {  	_ =	shalt  }
0x55: {  	_ =	shalt  }
0x56: {  	_ =	shalt  }
0x57: {  	_ =	shalt  }
0x58: {  	_ =	shalt  }
0x59: {  	_ =	shalt  }
0x5a: {  	_ =	shalt  }
0x5b: {  	_ =	shalt  }
0x5c: {  	_ =	shalt  }
0x5d: {  	_ =	shalt  }
0x5e: {  	_ =	shalt  }
0x5f: {  	_ =	shalt  }
0x60: {  	_ =	shalt  }
0x61: {  	_ =	shalt  }
0x62: {  	_ =	shalt  }
0x63: {  	_ =	shalt  }
0x64: {  	_ =	shalt  }
0x65: {  	_ =	shalt  }
0x66: {  	_ =	shalt  }
0x67: {  	_ =	shalt  }
0x68: {  	_ =	shalt  }
0x69: {  	_ =	shalt  }
0x6a: {  	_ =	shalt  }
0x6b: {  	_ =	shalt  }
0x6c: {  	_ =	shalt  }
0x6d: {  	_ =	shalt  }
0x6e: {  	_ =	shalt  }
0x6f: {  	_ =	shalt  }
0x70: {  	_ =	shalt  }
0x71: {  	_ =	shalt  }
0x72: {  	_ =	shalt  }
0x73: {  	_ =	shalt  }
0x74: {  	_ =	shalt  }
0x75: {  	_ =	shalt  }
0x76: {  	_ =	shalt  }
0x77: {  	_ =	shalt  }
0x78: {  	_ =	shalt  }
0x79: {  	_ =	shalt  }
0x7a: {  	_ =	shalt  }
0x7b: {  	_ =	shalt  }
0x7c: {  	_ =	shalt  }
0x7d: {  	_ =	shalt  }
0x7e: {  	_ =	shalt  }
0x7f: {  	_ =	shalt  }
0x80: {  	_ =	shalt  }
0x81: {  	_ =	shalt  }
0x82: {  	_ =	shalt  }
0x83: {  	_ =	shalt  }
0x84: {  	_ =	shalt  }
0x85: {  	_ =	shalt  }
0x86: {  	_ =	shalt  }
0x87: {  	_ =	shalt  }
.Lfunc_end0:
.L_simem_size_0:
called_computation_lowered:
.L_overlay_start_0:
0x88: {  	s2 =	sld [smem:$0x3FD9]  }
0x89: {  	s3 =	sld [smem:$0x3FFE];
	_ =	sdelay $0x1  }
0x8a: {  	s1 =	srdreg.scid  }
0x8b: {  	s0 =	sand.u32 $0x1, s1  }
0x8c: {  	s17 =	sshll.u32 s0, $0xA;
	s2 =	sadd.s32 s3, s2  }
0x8d: {  	s2 =	sadd.s32 s2, s17  }
0x8e: {  	[smem:$0x3FC7] =	sst s2  }
0x8f: {  	_ = 	snop  }
0x90: {  	s2 =	sld [smem:$0x3FD0];
	(tm) =	ssettm $0x1  }
0x91: {  	s18 =	sld [smem:$0x3FFB];
	_ =	sdelay $0x3  }
0x92: {  	_ =	strace s18  }
0x93: {  	s3 =	sld [smem:$0x3FFC];
	_ =	sdelay $0x3  }
0x94: {  	_ =	strace s3  }
0x95: {  	s3 =	sld [smem:$0x3FFD];
	_ =	sdelay $0x3  }
0x96: {  	_ =	strace s3  }
0x97: {  	_ =	strace $0x8FFFFFFF  }
0x98: {  	s19 =	sld [smem:$0x3FDB];
	_ =	sdelay $0x1  }
0x99: {  	s4 =	simm.s32 $_scs_section_size  }
0x9a: {  	s5 =	simm.s32 $_size__tile_overlayer_lowered;
	s6 =	simm.s32 $_tile_overlayer_lowered  }
0x9b: {  	s22 =	simm.s32 $0x1BFF;
	s21 =	sshll.u32 s6, $0x1;
	s3 =	sadd.s32 s4, s19  }
0x9c: {  	s7 =	simm.s32 $0x0;
	s20 =	sshll.u32 s5, $0x1;
	s5 =	sadd.s32 s21, s3  }
0x9d: {  	[timem:s7], [sflag:s22] =	dma.local [hbm:s5], s20  }
0x9e: {  	_ =	swait.ge [sflag:s22], s20  }
0x9f: {  	s4 =	ssub.s32 $0x0, s20;
	[sflag:s22] =	ssyncset.done $0x0  }
0xa0: {  	[sflag:s22] =	ssyncadd.s32 s4;
	_ =	sdelay $0x1  }
0xa1: {  	s23 =	simm.s32 $0x1B8B  }
0xa2: {  	_ =	swait.ge [sflag:s23], $0x1  }
0xa3: {  	[sflag:s23] =	ssyncset.done $0x0  }
0xa4: {  	s25 =	simm.s32 $0x1B8E;
	s24 =	sld [smem:$0x3FFE];
	[sflag:s23] =	ssyncadd.s32 $0xFFFFFFFF  }
0xa5: {  	s26 =	simm.s32 $execute0_lowered;
	[smem:$0x3FD2] =	sst s25  }
0xa6: {  	s5 =	sshll.u32 s26, $0x1;
	_ =	strace $0x80000046;
	[dreg:$0x1] =	wrdreg $0xFFFFFFFF  }
0xa7: {  	s28 =	simm.s32 $_size_execute0_lowered;
	s3 =	sadd.s32 s3, s5;
	[dreg:$0x0] =	wrdreg $0x0  }
0xa8: {  	s5 =	sshll.u32 s28, $0x1;
	[dreg:$0x2] =	wrdreg s3  }
0xa9: {  	[dreg:$0x3] =	wrdreg s5  }
0xaa: {  	[dreg:$0x4] =	wrdreg $0xC0  }
0xab: {  	_ =	task [dreg:s7], $0x5FFFF  }
0xac: {  	[dreg:$0x1] =	wrdreg $0xFFFFFFFF  }
0xad: {  	[dreg:$0x0] =	wrdreg $0x60  }
0xae: {  	[dreg:$0x2] =	wrdreg s2  }
0xaf: {  	[dreg:$0x3] =	wrdreg s24  }
0xb0: {  	[dreg:$0x4] =	wrdreg $0x9  }
0xb1: {  	_ =	task.clear_ibuf [dreg:s7], $0x5FFFF;
	_ =	strace $0x90000046  }
0xb2: {  	s29 =	simm.s32 $0x9;
	_ =	strace $0x80000048  }
0xb3: {  	_ =	swait.ge [sflag:s29], $0x1  }
0xb4: {  	[sflag:s29] =	ssyncadd.s32 $0xFFFFFFFF  }
0xb5: {  	_ =	strace $0x90000048  }
0xb6: {  	_ =	sfence  }
0xb7: {  	s30 =	sld [smem:$0x0];
	_ =	sdelay $0x2  }
0xb8: {  	s31 =	sshll.u32 s1, $0xD;
	s1 =	sshrl.u32 s1, $0x2  }
0xb9: {  	s3 =	sand.u32 $0x4000, s31;
	s1 =	sadd.s32 s1, s30  }
0xba: {  	s0 =	sor.u32 s3, s0;
	s1 =	sshll.u32 s1, $0x11  }
0xbb: {  	s0 =	sor.u32 s1, s0  }
0xbc: {  	s0 =	sadd.s32 $0x8F2B, s0  }
0xbd: {  	[sflag:s0] =	ssyncadd.remote.s32 $0x1  }
0xbe: {  	_ =	sfence.sel $0xFFFF  }
0xbf: {  	[dreg:$0x0] =	wrdreg $0xFFFFFFFF;
	(pc) =	sbr.abs _section_cstart, $3  }
0xc0: {  	[dreg:$0x1] =	wrdreg $0xFFFFFFFF  }
0xc1: {  	_ =	task.clear_ibuf [dreg:s7], $0x2FFFF;
	_ =	strace $0x9FFFFFFF  }
0xc2: {  	(tm) =	ssettm $0x7FFFFFFF  }
0xc3: {  	_ =	shalt  }
tec
execute0_lowered:
.L_overlay_start_1:
0x0: {  	(tag) =	ssettag $0x1  }
0x1: {  	s6 =	rddreg [dreg:$0x0];
	s1 =	srdreg.scid  }
0x2: {  	s0 =	stileid.u32;
	s3 =	rddreg [dreg:$0x1];
	s2 =	simm.s32 $0x0  }
0x3: {  	s13 =	simm.s32 $0x1A00;
	s14 =	simm.s32 $0x2700;
	s15 =	simm.s32 $0x1  }
0x4: {  	s16 =	simm.s32 $0x2;
	s17 =	simm.s32 $0x3;
	s18 =	simm.s32 $0x4  }
0x5: {  	s19 =	simm.s32 $0x5;
	s20 =	simm.s32 $0x6;
	s21 =	simm.s32 $0x7  }
0x6: {  	s22 =	simm.s32 $0x8;
	s4 =	sand.u32 $0x1, s1;
	s5 =	sshll.u32 s0, $0x1  }
0x7: {  	s23 =	simm.s32 $0x0;
	s5 =	sor.u32 s4, s5;
	s4 =	ssub.s32 $0x2, s4  }
0x8: {  	s1 =	rddreg [dreg:$0x2];
	s5 =	smul.u32 $0x3400, s5;
	s7 =	sshrl.u32 s4, $0x1  }
0x9: {  	[smem:$0x7FF] =	sst s2;
	s10 =	sadd.s32 $0x400, s3;
	s11 =	ssub.s32 s4, s7  }
0xa: {  	_ =	strace $0x80000047;
	s31 =	sshrl.u32 s5, $0x3;
	s11 =	smax.u32 s11, $0x1  }
0xb: {  	s3 =	sadd.s32 s6, s31;
	s8 =	sadd.s32 $0x1A0, s31;
	s9 =	sadd.s32 $0x340, s31  }
0xc: {  	s12 =	sadd.s32 $0x4E0, s31;
	s7 =	sadd.s32 s10, s31;
	s4 =	sadd.s32 s6, s8  }
0xd: {  	s5 =	sadd.s32 s6, s9;
	s6 =	sadd.s32 s6, s12;
	s8 =	sadd.s32 s10, s8  }
0xe: {  	s9 =	sadd.s32 s10, s9;
	s10 =	sadd.s32 s10, s12;
	s12 =	simm.s32 $0xD00  }
.LBB2_1:
0xf: {  	[tilespmem:s2], [sflag:$0x1] =	stream.linear.gather [hbm4b:s3+s2], $0xD00, $0x38;
	[tilespmem:$0x3400] =	vst v63  }
0x10: {  	_ = 	snop  }
0x11: {  	[tilespmem:s12], [sflag:$0x2] =	stream.linear.gather [hbm4b:s4+s2], $0xD00, $0x38;
	[tilespmem:$0x3400] =	vst v63  }
0x12: {  	_ = 	snop  }
0x13: {  	[tilespmem:s13], [sflag:$0x3] =	stream.linear.gather [hbm4b:s5+s2], $0xD00, $0x38;
	[tilespmem:$0x3400] =	vst v63  }
0x14: {  	_ = 	snop  }
0x15: {  	[tilespmem:s14], [sflag:$0x4] =	stream.linear.gather [hbm4b:s6+s2], $0xD00, $0x38;
	[tilespmem:$0x3400] =	vst v63  }
0x16: {  	_ =	swait.ge [sflag:s15], $0xD00  }
0x17: {  	[sflag:s15] =	ssyncset.done $0x0  }
0x18: {  	s24 =	simm.s32 $0x40;
	[sflag:s15] =	ssyncadd.s32 $0xFFFFF300  }
0x19: {  	v0 =	vld [tilespmem:s24+$0x30]  }
0x1a: {  	v1 =	vld [tilespmem:s24+$0xFFFFFFD0]  }
0x1b: {  	v3 =	vld [tilespmem:s24+$0xFFFFFFF0]  }
0x1c: {  	v2 =	vld [tilespmem:s24+$0xFFFFFFE0]  }
0x1d: {  	v4 =	vld [tilespmem:s24+$0x0]  }
0x1e: {  	v5 =	vld [tilespmem:s24+$0x10]  }
0x1f: {  	v6 =	vshrl.u32 v0, $0x10;
	v7 =	vshrl.u32 v1, $0x10  }
0x20: {  	v8 =	vld [tilespmem:s24+$0x20];
	v9 =	vshrl.u32 v3, $0x10;
	v0 =	vxor.u32 v0, v6;
	v1 =	vxor.u32 v1, v7  }
0x21: {  	v7 =	vshrl.u32 v2, $0x10;
	v3 =	vxor.u32 v3, v9;
	v0 =	vmul.u32 $0x85EBCA6B, v0  }
0x22: {  	v1 =	vmul.u32 $0x85EBCA6B, v1;
	v2 =	vxor.u32 v2, v7;
	v7 =	vshrl.u32 v4, $0x10  }
0x23: {  	v6 =	vld [tilespmem:s24+$0xFFFFFFC0];
	v3 =	vmul.u32 $0x85EBCA6B, v3;
	v4 =	vxor.u32 v4, v7;
	v7 =	vshrl.u32 v5, $0x10  }
0x24: {  	v2 =	vmul.u32 $0x85EBCA6B, v2;
	v9 =	vshrl.u32 v0, $0xD;
	v5 =	vxor.u32 v5, v7  }
0x25: {  	v7 =	vshrl.u32 v8, $0x10;
	v4 =	vmul.u32 $0x85EBCA6B, v4;
	v10 =	vshrl.u32 v1, $0xD  }
0x26: {  	v12 =	vshrl.u32 v3, $0xD;
	v0 =	vxor.u32 v0, v9;
	v7 =	vxor.u32 v8, v7  }
0x27: {  	v5 =	vmul.u32 $0x85EBCA6B, v5;
	v11 =	vshrl.u32 v2, $0xD;
	v1 =	vxor.u32 v1, v10  }
0x28: {  	v3 =	vxor.u32 v3, v12;
	v0 =	vmul.u32 $0xC2B2AE35, v0;
	v9 =	vshrl.u32 v6, $0x10  }
0x29: {  	v7 =	vmul.u32 $0x85EBCA6B, v7;
	v13 =	vshrl.u32 v4, $0xD;
	v2 =	vxor.u32 v2, v11  }
0x2a: {  	v1 =	vmul.u32 $0xC2B2AE35, v1;
	v3 =	vmul.u32 $0xC2B2AE35, v3;
	v8 =	vshrl.u32 v0, $0x10  }
0x2b: {  	v6 =	vxor.u32 v6, v9;
	v14 =	vshrl.u32 v5, $0xD;
	v0 =	vxor.u32 v0, v8  }
0x2c: {  	v4 =	vxor.u32 v4, v13;
	v2 =	vmul.u32 $0xC2B2AE35, v2;
	v8 =	vshrl.u32 v0, $0x5  }
0x2d: {  	v6 =	vmul.u32 $0x85EBCA6B, v6;
	v15 =	vshrl.u32 v7, $0xD;
	v8 =	vmulhi.u32 $0xA7C5AC5, v8  }
0x2e: {  	v5 =	vxor.u32 v5, v14;
	v12 =	vshrl.u32 v3, $0x10;
	v7 =	vxor.u32 v7, v15  }
0x2f: {  	v11 =	vshrl.u32 v2, $0x10;
	v3 =	vxor.u32 v3, v12;
	v8 =	vshrl.u32 v8, $0x7  }
0x30: {  	v9 =	vshrl.u32 v6, $0xD;
	v7 =	vmul.u32 $0xC2B2AE35, v7;
	v8 =	vmul.u32 $0x186A0, v8  }
0x31: {  	v6 =	vxor.u32 v6, v9;
	v9 =	vmul.u32 $0xC2B2AE35, v5;
	v5 =	vshrl.u32 v1, $0x10  }
0x32: {  	v15 =	vshrl.u32 v7, $0x10;
	v10 =	vsub.s32 v0, v8;
	v0 =	vmul.u32 $0xC2B2AE35, v6  }
0x33: {  	v5 =	vxor.u32 v1, v5;
	v14 =	vshrl.u32 v9, $0x10;
	v8 =	vmul.u32 $0xC2B2AE35, v4  }
0x34: {  	v1 =	vxor.u32 v9, v14;
	v14 =	vshrl.u32 v3, $0x5;
	v4 =	vshrl.u32 v0, $0x10  }
0x35: {  	v13 =	vshrl.u32 v8, $0x10;
	v6 =	vxor.u32 v0, v4;
	v4 =	vxor.u32 v2, v11  }
0x36: {  	v0 =	vxor.u32 v8, v13;
	v2 =	vxor.u32 v7, v15;
	v7 =	vshrl.u32 v6, $0x5  }
0x37: {  	v11 =	vshrl.u32 v5, $0x5;
	v8 =	vshrl.u32 v1, $0x5;
	v13 =	vmulhi.u32 $0xA7C5AC5, v7  }
0x38: {  	v12 =	vshrl.u32 v4, $0x5;
	v9 =	vshrl.u32 v0, $0x5;
	v15 =	vmulhi.u32 $0xA7C5AC5, v11  }
0x39: {  	v7 =	vshrl.u32 v2, $0x5;
	v11 =	vmulhi.u32 $0xA7C5AC5, v12;
	v13 =	vshrl.u32 v13, $0x7  }
0x3a: {  	s25 =	simm.s32 $0x0;
	s26 =	simm.s32 $0xC0;
	[tilespmem:s24+$0x30] =	vst v10;
	v12 =	vmulhi.u32 $0xA7C5AC5, v14;
	v10 =	vmul.u32 $0x186A0, v13;
	v13 =	vshrl.u32 v15, $0x7  }
.LBB2_2:
0x3b: {  	v14 =	vld [tilespmem:s26+$0x30];
	s25 =	sadd.s32 $0x80, s25;
	v13 =	vmul.u32 $0x186A0, v13;
	v11 =	vshrl.u32 v11, $0x7;
	v9 =	vmulhi.u32 $0xA7C5AC5, v9  }
0x3c: {  	v8 =	vmulhi.u32 $0xA7C5AC5, v8;
	v15 =	vld [tilespmem:s26+$0xFFFFFFD0];
	p0 =	slt.u32 s25, $0xC80;
	v11 =	vmul.u32 $0x186A0, v11;
	v12 =	vshrl.u32 v12, $0x7  }
0x3d: {  	v7 =	vmulhi.u32 $0xA7C5AC5, v7;
	v16 =	vld [tilespmem:s26+$0xFFFFFFE0];
	v12 =	vmul.u32 $0x186A0, v12;
	v9 =	vshrl.u32 v9, $0x7  }
0x3e: {  	v6 =	vsub.s32 v6, v10;
	v8 =	vshrl.u32 v8, $0x7;
	v17 =	vld [tilespmem:s26+$0xFFFFFFF0];
	v10 =	vmul.u32 $0x186A0, v9  }
0x3f: {  	v5 =	vsub.s32 v5, v13;
	v13 =	vmul.u32 $0x186A0, v8;
	v9 =	vld [tilespmem:s26+$0x0];
	[tilespmem:s24+$0xFFFFFFC0] =	vst v6;
	v6 =	vshrl.u32 v7, $0x7  }
0x40: {  	v4 =	vsub.s32 v4, v11;
	v7 =	vld [tilespmem:s26+$0x10];
	v8 =	vshrl.u32 v14, $0x10;
	[tilespmem:s24+$0xFFFFFFD0] =	vst v5;
	v11 =	vmul.u32 $0x186A0, v6  }
0x41: {  	v3 =	vsub.s32 v3, v12;
	v5 =	vshrl.u32 v15, $0x10;
	v6 =	vld [tilespmem:s26+$0x20];
	v8 =	vxor.u32 v14, v8;
	[tilespmem:s24+$0xFFFFFFE0] =	vst v4  }
0x42: {  	v4 =	vld [tilespmem:s26+$0xFFFFFFC0];
	v5 =	vxor.u32 v15, v5;
	v12 =	vshrl.u32 v16, $0x10;
	v8 =	vmul.u32 $0x85EBCA6B, v8;
	[tilespmem:s24+$0xFFFFFFF0] =	vst v3  }
0x43: {  	v3 =	vmul.u32 $0x85EBCA6B, v5;
	v5 =	vxor.u32 v16, v12;
	v12 =	vshrl.u32 v17, $0x10  }
0x44: {  	v12 =	vxor.u32 v17, v12;
	v14 =	vshrl.u32 v9, $0x10;
	v15 =	vshrl.u32 v8, $0xD  }
0x45: {  	v9 =	vxor.u32 v9, v14;
	v14 =	vshrl.u32 v7, $0x10;
	v8 =	vxor.u32 v8, v15  }
0x46: {  	v7 =	vxor.u32 v7, v14;
	v14 =	vshrl.u32 v6, $0x10;
	v8 =	vmul.u32 $0xC2B2AE35, v8  }
0x47: {  	v5 =	vmul.u32 $0x85EBCA6B, v5;
	v15 =	vshrl.u32 v4, $0x10;
	v6 =	vxor.u32 v6, v14  }
0x48: {  	v12 =	vmul.u32 $0x85EBCA6B, v12;
	v4 =	vxor.u32 v4, v15;
	v14 =	vshrl.u32 v8, $0x10  }
0x49: {  	v9 =	vmul.u32 $0x85EBCA6B, v9;
	v4 =	vmul.u32 $0x85EBCA6B, v4;
	v8 =	vxor.u32 v8, v14  }
0x4a: {  	v7 =	vmul.u32 $0x85EBCA6B, v7;
	v6 =	vmul.u32 $0x85EBCA6B, v6;
	v14 =	vshrl.u32 v8, $0x5  }
0x4b: {  	v16 =	vshrl.u32 v3, $0xD;
	v15 =	vshrl.u32 v4, $0xD;
	v14 =	vmulhi.u32 $0xA7C5AC5, v14  }
0x4c: {  	v17 =	vshrl.u32 v5, $0xD;
	v18 =	vshrl.u32 v12, $0xD;
	v19 =	vshrl.u32 v9, $0xD  }
0x4d: {  	v20 =	vshrl.u32 v7, $0xD;
	v21 =	vshrl.u32 v6, $0xD;
	v14 =	vshrl.u32 v14, $0x7  }
0x4e: {  	v3 =	vxor.u32 v3, v16;
	v4 =	vxor.u32 v4, v15;
	v14 =	vmul.u32 $0x186A0, v14  }
0x4f: {  	v5 =	vxor.u32 v5, v17;
	v12 =	vxor.u32 v12, v18;
	v9 =	vxor.u32 v9, v19  }
0x50: {  	v7 =	vxor.u32 v7, v20;
	v6 =	vxor.u32 v6, v21;
	v8 =	vsub.s32 v8, v14  }
0x51: {  	v3 =	vmul.u32 $0xC2B2AE35, v3;
	v4 =	vmul.u32 $0xC2B2AE35, v4;
	v14 =	vmul.u32 $0xC2B2AE35, v5;
	[tilespmem:s26+$0x30] =	vst v8  }
0x52: {  	v9 =	vmul.u32 $0xC2B2AE35, v9;
	v7 =	vmul.u32 $0xC2B2AE35, v7;
	v8 =	vmul.u32 $0xC2B2AE35, v12  }
0x53: {  	v15 =	vmul.u32 $0xC2B2AE35, v6;
	v5 =	vshrl.u32 v4, $0x10;
	v12 =	vshrl.u32 v3, $0x10  }
0x54: {  	v18 =	vshrl.u32 v9, $0x10;
	v16 =	vshrl.u32 v14, $0x10;
	v17 =	vshrl.u32 v8, $0x10  }
0x55: {  	v19 =	vshrl.u32 v7, $0x10;
	v20 =	vshrl.u32 v15, $0x10;
	v6 =	vxor.u32 v4, v5  }
0x56: {  	v5 =	vxor.u32 v3, v12;
	v4 =	vxor.u32 v14, v16;
	v3 =	vxor.u32 v8, v17  }
0x57: {  	v15 =	vxor.u32 v15, v20;
	v12 =	vxor.u32 v9, v18;
	v14 =	vxor.u32 v7, v19  }
0x58: {  	v7 =	vshrl.u32 v6, $0x5;
	v16 =	vshrl.u32 v5, $0x5;
	v17 =	vshrl.u32 v4, $0x5  }
.Ltmp0:
0x59: {  	v9 =	vshrl.u32 v12, $0x5;
	v8 =	vshrl.u32 v14, $0x5;
	v18 =	vshrl.u32 v3, $0x5;
	(pc) =	sbr.rel @p0 .LBB2_2-.Ltmp0, $4  }
0x5a: {  	v10 =	vsub.s32 v0, v10;
	v0 =	vmovc v12;
	v19 =	vmulhi.u32 $0xA7C5AC5, v7;
	v7 =	vshrl.u32 v15, $0x5  }
0x5b: {  	v12 =	vmulhi.u32 $0xA7C5AC5, v16;
	v16 =	vsub.s32 v2, v11;
	[tilespmem:s24+$0x0] =	vst v10;
	v10 =	vsub.s32 v1, v13;
	v1 =	vmovc v14  }
0x5c: {  	v2 =	vmov v15;
	v11 =	vmulhi.u32 $0xA7C5AC5, v17;
	v13 =	vshrl.u32 v19, $0x7;
	[tilespmem:s24+$0x10] =	vst v10  }
0x5d: {  	v10 =	vmul.u32 $0x186A0, v13;
	v13 =	vshrl.u32 v12, $0x7;
	v12 =	vmulhi.u32 $0xA7C5AC5, v18;
	[tilespmem:s24+$0x20] =	vst v16;
	s24 =	smov.u32 s26;
	s26 =	sadd.s32 $0x80, s26  }
0x5e: {  	v9 =	vmulhi.u32 $0xA7C5AC5, v9  }
0x5f: {  	v8 =	vmulhi.u32 $0xA7C5AC5, v8  }
0x60: {  	v13 =	vmul.u32 $0x186A0, v13;
	v11 =	vshrl.u32 v11, $0x7;
	v7 =	vmulhi.u32 $0xA7C5AC5, v7  }
0x61: {  	v11 =	vmul.u32 $0x186A0, v11;
	v12 =	vshrl.u32 v12, $0x7;
	v6 =	vsub.s32 v6, v10  }
0x62: {  	v12 =	vmul.u32 $0x186A0, v12;
	v9 =	vshrl.u32 v9, $0x7;
	[tilespmem:s24+$0xFFFFFFC0] =	vst v6;
	v5 =	vsub.s32 v5, v13  }
0x63: {  	v8 =	vshrl.u32 v8, $0x7;
	v6 =	vmul.u32 $0x186A0, v9;
	[tilespmem:s24+$0xFFFFFFD0] =	vst v5;
	v4 =	vsub.s32 v4, v11  }
0x64: {  	v7 =	vshrl.u32 v7, $0x7;
	v5 =	vmul.u32 $0x186A0, v8;
	[tilespmem:s24+$0xFFFFFFE0] =	vst v4;
	v3 =	vsub.s32 v3, v12  }
0x65: {  	v4 =	vmul.u32 $0x186A0, v7;
	[tilespmem:s24+$0xFFFFFFF0] =	vst v3;
	v0 =	vsub.s32 v0, v6  }
0x66: {  	[tilespmem:s24+$0x0] =	vst v0;
	v0 =	vsub.s32 v1, v5  }
0x67: {  	v1 =	vsub.s32 v2, v4;
	[tilespmem:s24+$0x10] =	vst v0  }
0x68: {  	[tilespmem:s24+$0x20] =	vst v1  }
0x69: {  	[hbm4b:s7+s2] =	stream.linear.scatter [tilespmem:s2], [sflag:$0x5], $0xD00, $0x38;
	[tilespmem:$0x3400] =	vst v63  }
0x6a: {  	_ =	swait.ge [sflag:s16], $0xD00  }
0x6b: {  	[sflag:s16] =	ssyncset.done $0x0  }
0x6c: {  	s24 =	simm.s32 $0xD70;
	[sflag:s16] =	ssyncadd.s32 $0xFFFFF300  }
0x6d: {  	v0 =	vld [tilespmem:s24+$0x0]  }
0x6e: {  	v1 =	vld [tilespmem:s24+$0xFFFFFFA0]  }
0x6f: {  	v3 =	vld [tilespmem:s24+$0xFFFFFFC0]  }
0x70: {  	v2 =	vld [tilespmem:s24+$0xFFFFFFB0]  }
0x71: {  	v4 =	vld [tilespmem:s24+$0xFFFFFFD0]  }
0x72: {  	v5 =	vld [tilespmem:s24+$0xFFFFFFE0]  }
0x73: {  	v6 =	vshrl.u32 v0, $0x10;
	v7 =	vshrl.u32 v1, $0x10  }
0x74: {  	v8 =	vld [tilespmem:s24+$0xFFFFFFF0];
	v9 =	vshrl.u32 v3, $0x10;
	v0 =	vxor.u32 v0, v6;
	v1 =	vxor.u32 v1, v7  }
0x75: {  	v7 =	vshrl.u32 v2, $0x10;
	v3 =	vxor.u32 v3, v9;
	v0 =	vmul.u32 $0x85EBCA6B, v0  }
0x76: {  	v1 =	vmul.u32 $0x85EBCA6B, v1;
	v2 =	vxor.u32 v2, v7;
	v7 =	vshrl.u32 v4, $0x10  }
0x77: {  	v6 =	vld [tilespmem:s24+$0xFFFFFF90];
	v3 =	vmul.u32 $0x85EBCA6B, v3;
	v4 =	vxor.u32 v4, v7;
	v7 =	vshrl.u32 v5, $0x10  }
0x78: {  	v2 =	vmul.u32 $0x85EBCA6B, v2;
	v9 =	vshrl.u32 v0, $0xD;
	v5 =	vxor.u32 v5, v7  }
0x79: {  	v7 =	vshrl.u32 v8, $0x10;
	v4 =	vmul.u32 $0x85EBCA6B, v4;
	v10 =	vshrl.u32 v1, $0xD  }
0x7a: {  	v12 =	vshrl.u32 v3, $0xD;
	v0 =	vxor.u32 v0, v9;
	v7 =	vxor.u32 v8, v7  }
0x7b: {  	v5 =	vmul.u32 $0x85EBCA6B, v5;
	v11 =	vshrl.u32 v2, $0xD;
	v1 =	vxor.u32 v1, v10  }
0x7c: {  	v3 =	vxor.u32 v3, v12;
	v0 =	vmul.u32 $0xC2B2AE35, v0;
	v9 =	vshrl.u32 v6, $0x10  }
0x7d: {  	v7 =	vmul.u32 $0x85EBCA6B, v7;
	v13 =	vshrl.u32 v4, $0xD;
	v2 =	vxor.u32 v2, v11  }
0x7e: {  	v1 =	vmul.u32 $0xC2B2AE35, v1;
	v3 =	vmul.u32 $0xC2B2AE35, v3;
	v8 =	vshrl.u32 v0, $0x10  }
0x7f: {  	v6 =	vxor.u32 v6, v9;
	v14 =	vshrl.u32 v5, $0xD;
	v0 =	vxor.u32 v0, v8  }
0x80: {  	v4 =	vxor.u32 v4, v13;
	v2 =	vmul.u32 $0xC2B2AE35, v2;
	v8 =	vshrl.u32 v0, $0x5  }
0x81: {  	v6 =	vmul.u32 $0x85EBCA6B, v6;
	v15 =	vshrl.u32 v7, $0xD;
	v8 =	vmulhi.u32 $0xA7C5AC5, v8  }
0x82: {  	v5 =	vxor.u32 v5, v14;
	v12 =	vshrl.u32 v3, $0x10;
	v7 =	vxor.u32 v7, v15  }
0x83: {  	v11 =	vshrl.u32 v2, $0x10;
	v3 =	vxor.u32 v3, v12;
	v8 =	vshrl.u32 v8, $0x7  }
0x84: {  	v9 =	vshrl.u32 v6, $0xD;
	v7 =	vmul.u32 $0xC2B2AE35, v7;
	v8 =	vmul.u32 $0x186A0, v8  }
0x85: {  	v6 =	vxor.u32 v6, v9;
	v9 =	vmul.u32 $0xC2B2AE35, v5;
	v5 =	vshrl.u32 v1, $0x10  }
0x86: {  	v15 =	vshrl.u32 v7, $0x10;
	v10 =	vsub.s32 v0, v8;
	v0 =	vmul.u32 $0xC2B2AE35, v6  }
0x87: {  	v5 =	vxor.u32 v1, v5;
	v14 =	vshrl.u32 v9, $0x10;
	v8 =	vmul.u32 $0xC2B2AE35, v4  }
0x88: {  	v1 =	vxor.u32 v9, v14;
	v14 =	vshrl.u32 v3, $0x5;
	v4 =	vshrl.u32 v0, $0x10  }
0x89: {  	v13 =	vshrl.u32 v8, $0x10;
	v6 =	vxor.u32 v0, v4;
	v4 =	vxor.u32 v2, v11  }
0x8a: {  	v0 =	vxor.u32 v8, v13;
	v2 =	vxor.u32 v7, v15;
	v7 =	vshrl.u32 v6, $0x5  }
0x8b: {  	v11 =	vshrl.u32 v5, $0x5;
	v8 =	vshrl.u32 v1, $0x5;
	v13 =	vmulhi.u32 $0xA7C5AC5, v7  }
0x8c: {  	v12 =	vshrl.u32 v4, $0x5;
	v9 =	vshrl.u32 v0, $0x5;
	v15 =	vmulhi.u32 $0xA7C5AC5, v11  }
0x8d: {  	v7 =	vshrl.u32 v2, $0x5;
	v11 =	vmulhi.u32 $0xA7C5AC5, v12;
	v13 =	vshrl.u32 v13, $0x7  }
0x8e: {  	s25 =	simm.s32 $0xD00;
	s26 =	simm.s32 $0xDF0;
	[tilespmem:s24+$0x0] =	vst v10;
	v12 =	vmulhi.u32 $0xA7C5AC5, v14;
	v10 =	vmul.u32 $0x186A0, v13;
	v13 =	vshrl.u32 v15, $0x7  }
.LBB2_4:
0x8f: {  	v14 =	vld [tilespmem:s26+$0x0];
	s25 =	sadd.s32 $0x80, s25;
	v13 =	vmul.u32 $0x186A0, v13;
	v11 =	vshrl.u32 v11, $0x7;
	v9 =	vmulhi.u32 $0xA7C5AC5, v9  }
0x90: {  	v8 =	vmulhi.u32 $0xA7C5AC5, v8;
	v15 =	vld [tilespmem:s26+$0xFFFFFFA0];
	p0 =	slt.u32 s25, $0x1980;
	v11 =	vmul.u32 $0x186A0, v11;
	v12 =	vshrl.u32 v12, $0x7  }
0x91: {  	v7 =	vmulhi.u32 $0xA7C5AC5, v7;
	v16 =	vld [tilespmem:s26+$0xFFFFFFB0];
	v12 =	vmul.u32 $0x186A0, v12;
	v9 =	vshrl.u32 v9, $0x7  }
0x92: {  	v6 =	vsub.s32 v6, v10;
	v8 =	vshrl.u32 v8, $0x7;
	v17 =	vld [tilespmem:s26+$0xFFFFFFC0];
	v10 =	vmul.u32 $0x186A0, v9  }
0x93: {  	v5 =	vsub.s32 v5, v13;
	v13 =	vmul.u32 $0x186A0, v8;
	v9 =	vld [tilespmem:s26+$0xFFFFFFD0];
	[tilespmem:s24+$0xFFFFFF90] =	vst v6;
	v6 =	vshrl.u32 v7, $0x7  }
0x94: {  	v4 =	vsub.s32 v4, v11;
	v7 =	vld [tilespmem:s26+$0xFFFFFFE0];
	v8 =	vshrl.u32 v14, $0x10;
	[tilespmem:s24+$0xFFFFFFA0] =	vst v5;
	v11 =	vmul.u32 $0x186A0, v6  }
0x95: {  	v3 =	vsub.s32 v3, v12;
	v5 =	vshrl.u32 v15, $0x10;
	v6 =	vld [tilespmem:s26+$0xFFFFFFF0];
	v8 =	vxor.u32 v14, v8;
	[tilespmem:s24+$0xFFFFFFB0] =	vst v4  }
0x96: {  	v4 =	vld [tilespmem:s26+$0xFFFFFF90];
	v5 =	vxor.u32 v15, v5;
	v12 =	vshrl.u32 v16, $0x10;
	v8 =	vmul.u32 $0x85EBCA6B, v8;
	[tilespmem:s24+$0xFFFFFFC0] =	vst v3  }
0x97: {  	v3 =	vmul.u32 $0x85EBCA6B, v5;
	v5 =	vxor.u32 v16, v12;
	v12 =	vshrl.u32 v17, $0x10  }
0x98: {  	v12 =	vxor.u32 v17, v12;
	v14 =	vshrl.u32 v9, $0x10;
	v15 =	vshrl.u32 v8, $0xD  }
0x99: {  	v9 =	vxor.u32 v9, v14;
	v14 =	vshrl.u32 v7, $0x10;
	v8 =	vxor.u32 v8, v15  }
0x9a: {  	v7 =	vxor.u32 v7, v14;
	v14 =	vshrl.u32 v6, $0x10;
	v8 =	vmul.u32 $0xC2B2AE35, v8  }
0x9b: {  	v5 =	vmul.u32 $0x85EBCA6B, v5;
	v15 =	vshrl.u32 v4, $0x10;
	v6 =	vxor.u32 v6, v14  }
0x9c: {  	v12 =	vmul.u32 $0x85EBCA6B, v12;
	v4 =	vxor.u32 v4, v15;
	v14 =	vshrl.u32 v8, $0x10  }
0x9d: {  	v9 =	vmul.u32 $0x85EBCA6B, v9;
	v4 =	vmul.u32 $0x85EBCA6B, v4;
	v8 =	vxor.u32 v8, v14  }
0x9e: {  	v7 =	vmul.u32 $0x85EBCA6B, v7;
	v6 =	vmul.u32 $0x85EBCA6B, v6;
	v14 =	vshrl.u32 v8, $0x5  }
0x9f: {  	v16 =	vshrl.u32 v3, $0xD;
	v15 =	vshrl.u32 v4, $0xD;
	v14 =	vmulhi.u32 $0xA7C5AC5, v14  }
0xa0: {  	v17 =	vshrl.u32 v5, $0xD;
	v18 =	vshrl.u32 v12, $0xD;
	v19 =	vshrl.u32 v9, $0xD  }
0xa1: {  	v20 =	vshrl.u32 v7, $0xD;
	v21 =	vshrl.u32 v6, $0xD;
	v14 =	vshrl.u32 v14, $0x7  }
0xa2: {  	v3 =	vxor.u32 v3, v16;
	v4 =	vxor.u32 v4, v15;
	v14 =	vmul.u32 $0x186A0, v14  }
0xa3: {  	v5 =	vxor.u32 v5, v17;
	v12 =	vxor.u32 v12, v18;
	v9 =	vxor.u32 v9, v19  }
0xa4: {  	v7 =	vxor.u32 v7, v20;
	v6 =	vxor.u32 v6, v21;
	v8 =	vsub.s32 v8, v14  }
0xa5: {  	v3 =	vmul.u32 $0xC2B2AE35, v3;
	v4 =	vmul.u32 $0xC2B2AE35, v4;
	v14 =	vmul.u32 $0xC2B2AE35, v5;
	[tilespmem:s26+$0x0] =	vst v8  }
0xa6: {  	v9 =	vmul.u32 $0xC2B2AE35, v9;
	v7 =	vmul.u32 $0xC2B2AE35, v7;
	v8 =	vmul.u32 $0xC2B2AE35, v12  }
0xa7: {  	v15 =	vmul.u32 $0xC2B2AE35, v6;
	v5 =	vshrl.u32 v4, $0x10;
	v12 =	vshrl.u32 v3, $0x10  }
0xa8: {  	v18 =	vshrl.u32 v9, $0x10;
	v16 =	vshrl.u32 v14, $0x10;
	v17 =	vshrl.u32 v8, $0x10  }
0xa9: {  	v19 =	vshrl.u32 v7, $0x10;
	v20 =	vshrl.u32 v15, $0x10;
	v6 =	vxor.u32 v4, v5  }
0xaa: {  	v5 =	vxor.u32 v3, v12;
	v4 =	vxor.u32 v14, v16;
	v3 =	vxor.u32 v8, v17  }
0xab: {  	v15 =	vxor.u32 v15, v20;
	v12 =	vxor.u32 v9, v18;
	v14 =	vxor.u32 v7, v19  }
0xac: {  	v7 =	vshrl.u32 v6, $0x5;
	v16 =	vshrl.u32 v5, $0x5;
	v17 =	vshrl.u32 v4, $0x5  }
.Ltmp1:
0xad: {  	v9 =	vshrl.u32 v12, $0x5;
	v8 =	vshrl.u32 v14, $0x5;
	v18 =	vshrl.u32 v3, $0x5;
	(pc) =	sbr.rel @p0 .LBB2_4-.Ltmp1, $4  }
0xae: {  	v10 =	vsub.s32 v0, v10;
	v0 =	vmovc v12;
	v19 =	vmulhi.u32 $0xA7C5AC5, v7;
	v7 =	vshrl.u32 v15, $0x5  }
0xaf: {  	v12 =	vmulhi.u32 $0xA7C5AC5, v16;
	v16 =	vsub.s32 v2, v11;
	[tilespmem:s24+$0xFFFFFFD0] =	vst v10;
	v10 =	vsub.s32 v1, v13;
	v1 =	vmovc v14  }
0xb0: {  	v2 =	vmov v15;
	v11 =	vmulhi.u32 $0xA7C5AC5, v17;
	v13 =	vshrl.u32 v19, $0x7;
	[tilespmem:s24+$0xFFFFFFE0] =	vst v10  }
0xb1: {  	v10 =	vmul.u32 $0x186A0, v13;
	v13 =	vshrl.u32 v12, $0x7;
	v12 =	vmulhi.u32 $0xA7C5AC5, v18;
	[tilespmem:s24+$0xFFFFFFF0] =	vst v16;
	s24 =	smov.u32 s26;
	s26 =	sadd.s32 $0x80, s26  }
0xb2: {  	v9 =	vmulhi.u32 $0xA7C5AC5, v9  }
0xb3: {  	v8 =	vmulhi.u32 $0xA7C5AC5, v8  }
0xb4: {  	v13 =	vmul.u32 $0x186A0, v13;
	v11 =	vshrl.u32 v11, $0x7;
	v7 =	vmulhi.u32 $0xA7C5AC5, v7  }
0xb5: {  	v11 =	vmul.u32 $0x186A0, v11;
	v12 =	vshrl.u32 v12, $0x7;
	v6 =	vsub.s32 v6, v10  }
0xb6: {  	v12 =	vmul.u32 $0x186A0, v12;
	v9 =	vshrl.u32 v9, $0x7;
	[tilespmem:s24+$0xFFFFFF90] =	vst v6;
	v5 =	vsub.s32 v5, v13  }
0xb7: {  	v8 =	vshrl.u32 v8, $0x7;
	v6 =	vmul.u32 $0x186A0, v9;
	[tilespmem:s24+$0xFFFFFFA0] =	vst v5;
	v4 =	vsub.s32 v4, v11  }
0xb8: {  	v7 =	vshrl.u32 v7, $0x7;
	v5 =	vmul.u32 $0x186A0, v8;
	[tilespmem:s24+$0xFFFFFFB0] =	vst v4;
	v3 =	vsub.s32 v3, v12  }
0xb9: {  	v4 =	vmul.u32 $0x186A0, v7;
	[tilespmem:s24+$0xFFFFFFC0] =	vst v3;
	v0 =	vsub.s32 v0, v6  }
0xba: {  	[tilespmem:s24+$0xFFFFFFD0] =	vst v0;
	v0 =	vsub.s32 v1, v5  }
0xbb: {  	v1 =	vsub.s32 v2, v4;
	[tilespmem:s24+$0xFFFFFFE0] =	vst v0  }
0xbc: {  	[tilespmem:s24+$0xFFFFFFF0] =	vst v1  }
0xbd: {  	[hbm4b:s8+s2] =	stream.linear.scatter [tilespmem:s12], [sflag:$0x6], $0xD00, $0x38;
	[tilespmem:$0x3400] =	vst v63  }
0xbe: {  	_ =	swait.ge [sflag:s17], $0xD00  }
0xbf: {  	[sflag:s17] =	ssyncset.done $0x0  }
0xc0: {  	s24 =	simm.s32 $0x1A70;
	[sflag:s17] =	ssyncadd.s32 $0xFFFFF300  }
0xc1: {  	v0 =	vld [tilespmem:s24+$0x0]  }
0xc2: {  	v1 =	vld [tilespmem:s24+$0xFFFFFFA0]  }
0xc3: {  	v3 =	vld [tilespmem:s24+$0xFFFFFFC0]  }
0xc4: {  	v2 =	vld [tilespmem:s24+$0xFFFFFFB0]  }
0xc5: {  	v4 =	vld [tilespmem:s24+$0xFFFFFFD0]  }
0xc6: {  	v5 =	vld [tilespmem:s24+$0xFFFFFFE0]  }
0xc7: {  	v6 =	vshrl.u32 v0, $0x10;
	v7 =	vshrl.u32 v1, $0x10  }
0xc8: {  	v8 =	vld [tilespmem:s24+$0xFFFFFFF0];
	v9 =	vshrl.u32 v3, $0x10;
	v0 =	vxor.u32 v0, v6;
	v1 =	vxor.u32 v1, v7  }
0xc9: {  	v7 =	vshrl.u32 v2, $0x10;
	v3 =	vxor.u32 v3, v9;
	v0 =	vmul.u32 $0x85EBCA6B, v0  }
0xca: {  	v1 =	vmul.u32 $0x85EBCA6B, v1;
	v2 =	vxor.u32 v2, v7;
	v7 =	vshrl.u32 v4, $0x10  }
0xcb: {  	v6 =	vld [tilespmem:s24+$0xFFFFFF90];
	v3 =	vmul.u32 $0x85EBCA6B, v3;
	v4 =	vxor.u32 v4, v7;
	v7 =	vshrl.u32 v5, $0x10  }
0xcc: {  	v2 =	vmul.u32 $0x85EBCA6B, v2;
	v9 =	vshrl.u32 v0, $0xD;
	v5 =	vxor.u32 v5, v7  }
0xcd: {  	v7 =	vshrl.u32 v8, $0x10;
	v4 =	vmul.u32 $0x85EBCA6B, v4;
	v10 =	vshrl.u32 v1, $0xD  }
0xce: {  	v12 =	vshrl.u32 v3, $0xD;
	v0 =	vxor.u32 v0, v9;
	v7 =	vxor.u32 v8, v7  }
0xcf: {  	v5 =	vmul.u32 $0x85EBCA6B, v5;
	v11 =	vshrl.u32 v2, $0xD;
	v1 =	vxor.u32 v1, v10  }
0xd0: {  	v3 =	vxor.u32 v3, v12;
	v0 =	vmul.u32 $0xC2B2AE35, v0;
	v9 =	vshrl.u32 v6, $0x10  }
0xd1: {  	v7 =	vmul.u32 $0x85EBCA6B, v7;
	v13 =	vshrl.u32 v4, $0xD;
	v2 =	vxor.u32 v2, v11  }
0xd2: {  	v1 =	vmul.u32 $0xC2B2AE35, v1;
	v3 =	vmul.u32 $0xC2B2AE35, v3;
	v8 =	vshrl.u32 v0, $0x10  }
0xd3: {  	v6 =	vxor.u32 v6, v9;
	v14 =	vshrl.u32 v5, $0xD;
	v0 =	vxor.u32 v0, v8  }
0xd4: {  	v4 =	vxor.u32 v4, v13;
	v2 =	vmul.u32 $0xC2B2AE35, v2;
	v8 =	vshrl.u32 v0, $0x5  }
0xd5: {  	v6 =	vmul.u32 $0x85EBCA6B, v6;
	v15 =	vshrl.u32 v7, $0xD;
	v8 =	vmulhi.u32 $0xA7C5AC5, v8  }
0xd6: {  	v5 =	vxor.u32 v5, v14;
	v12 =	vshrl.u32 v3, $0x10;
	v7 =	vxor.u32 v7, v15  }
0xd7: {  	v11 =	vshrl.u32 v2, $0x10;
	v3 =	vxor.u32 v3, v12;
	v8 =	vshrl.u32 v8, $0x7  }
0xd8: {  	v9 =	vshrl.u32 v6, $0xD;
	v7 =	vmul.u32 $0xC2B2AE35, v7;
	v8 =	vmul.u32 $0x186A0, v8  }
0xd9: {  	v6 =	vxor.u32 v6, v9;
	v9 =	vmul.u32 $0xC2B2AE35, v5;
	v5 =	vshrl.u32 v1, $0x10  }
0xda: {  	v15 =	vshrl.u32 v7, $0x10;
	v10 =	vsub.s32 v0, v8;
	v0 =	vmul.u32 $0xC2B2AE35, v6  }
0xdb: {  	v5 =	vxor.u32 v1, v5;
	v14 =	vshrl.u32 v9, $0x10;
	v8 =	vmul.u32 $0xC2B2AE35, v4  }
0xdc: {  	v1 =	vxor.u32 v9, v14;
	v14 =	vshrl.u32 v3, $0x5;
	v4 =	vshrl.u32 v0, $0x10  }
0xdd: {  	v13 =	vshrl.u32 v8, $0x10;
	v6 =	vxor.u32 v0, v4;
	v4 =	vxor.u32 v2, v11  }
0xde: {  	v0 =	vxor.u32 v8, v13;
	v2 =	vxor.u32 v7, v15;
	v7 =	vshrl.u32 v6, $0x5  }
0xdf: {  	v11 =	vshrl.u32 v5, $0x5;
	v8 =	vshrl.u32 v1, $0x5;
	v13 =	vmulhi.u32 $0xA7C5AC5, v7  }
0xe0: {  	v12 =	vshrl.u32 v4, $0x5;
	v9 =	vshrl.u32 v0, $0x5;
	v15 =	vmulhi.u32 $0xA7C5AC5, v11  }
0xe1: {  	v7 =	vshrl.u32 v2, $0x5;
	v11 =	vmulhi.u32 $0xA7C5AC5, v12;
	v13 =	vshrl.u32 v13, $0x7  }
0xe2: {  	s25 =	simm.s32 $0x1A00;
	s26 =	simm.s32 $0x1AF0;
	[tilespmem:s24+$0x0] =	vst v10;
	v12 =	vmulhi.u32 $0xA7C5AC5, v14;
	v10 =	vmul.u32 $0x186A0, v13;
	v13 =	vshrl.u32 v15, $0x7  }
.LBB2_6:
0xe3: {  	v14 =	vld [tilespmem:s26+$0x0];
	s25 =	sadd.s32 $0x80, s25;
	v13 =	vmul.u32 $0x186A0, v13;
	v11 =	vshrl.u32 v11, $0x7;
	v9 =	vmulhi.u32 $0xA7C5AC5, v9  }
0xe4: {  	v8 =	vmulhi.u32 $0xA7C5AC5, v8;
	v15 =	vld [tilespmem:s26+$0xFFFFFFA0];
	p0 =	slt.u32 s25, $0x2680;
	v11 =	vmul.u32 $0x186A0, v11;
	v12 =	vshrl.u32 v12, $0x7  }
0xe5: {  	v7 =	vmulhi.u32 $0xA7C5AC5, v7;
	v16 =	vld [tilespmem:s26+$0xFFFFFFB0];
	v12 =	vmul.u32 $0x186A0, v12;
	v9 =	vshrl.u32 v9, $0x7  }
0xe6: {  	v6 =	vsub.s32 v6, v10;
	v8 =	vshrl.u32 v8, $0x7;
	v17 =	vld [tilespmem:s26+$0xFFFFFFC0];
	v10 =	vmul.u32 $0x186A0, v9  }
0xe7: {  	v5 =	vsub.s32 v5, v13;
	v13 =	vmul.u32 $0x186A0, v8;
	v9 =	vld [tilespmem:s26+$0xFFFFFFD0];
	[tilespmem:s24+$0xFFFFFF90] =	vst v6;
	v6 =	vshrl.u32 v7, $0x7  }
0xe8: {  	v4 =	vsub.s32 v4, v11;
	v7 =	vld [tilespmem:s26+$0xFFFFFFE0];
	v8 =	vshrl.u32 v14, $0x10;
	[tilespmem:s24+$0xFFFFFFA0] =	vst v5;
	v11 =	vmul.u32 $0x186A0, v6  }
0xe9: {  	v3 =	vsub.s32 v3, v12;
	v5 =	vshrl.u32 v15, $0x10;
	v6 =	vld [tilespmem:s26+$0xFFFFFFF0];
	v8 =	vxor.u32 v14, v8;
	[tilespmem:s24+$0xFFFFFFB0] =	vst v4  }
0xea: {  	v4 =	vld [tilespmem:s26+$0xFFFFFF90];
	v5 =	vxor.u32 v15, v5;
	v12 =	vshrl.u32 v16, $0x10;
	v8 =	vmul.u32 $0x85EBCA6B, v8;
	[tilespmem:s24+$0xFFFFFFC0] =	vst v3  }
0xeb: {  	v3 =	vmul.u32 $0x85EBCA6B, v5;
	v5 =	vxor.u32 v16, v12;
	v12 =	vshrl.u32 v17, $0x10  }
0xec: {  	v12 =	vxor.u32 v17, v12;
	v14 =	vshrl.u32 v9, $0x10;
	v15 =	vshrl.u32 v8, $0xD  }
0xed: {  	v9 =	vxor.u32 v9, v14;
	v14 =	vshrl.u32 v7, $0x10;
	v8 =	vxor.u32 v8, v15  }
0xee: {  	v7 =	vxor.u32 v7, v14;
	v14 =	vshrl.u32 v6, $0x10;
	v8 =	vmul.u32 $0xC2B2AE35, v8  }
0xef: {  	v5 =	vmul.u32 $0x85EBCA6B, v5;
	v15 =	vshrl.u32 v4, $0x10;
	v6 =	vxor.u32 v6, v14  }
0xf0: {  	v12 =	vmul.u32 $0x85EBCA6B, v12;
	v4 =	vxor.u32 v4, v15;
	v14 =	vshrl.u32 v8, $0x10  }
0xf1: {  	v9 =	vmul.u32 $0x85EBCA6B, v9;
	v4 =	vmul.u32 $0x85EBCA6B, v4;
	v8 =	vxor.u32 v8, v14  }
0xf2: {  	v7 =	vmul.u32 $0x85EBCA6B, v7;
	v6 =	vmul.u32 $0x85EBCA6B, v6;
	v14 =	vshrl.u32 v8, $0x5  }
0xf3: {  	v16 =	vshrl.u32 v3, $0xD;
	v15 =	vshrl.u32 v4, $0xD;
	v14 =	vmulhi.u32 $0xA7C5AC5, v14  }
0xf4: {  	v17 =	vshrl.u32 v5, $0xD;
	v18 =	vshrl.u32 v12, $0xD;
	v19 =	vshrl.u32 v9, $0xD  }
0xf5: {  	v20 =	vshrl.u32 v7, $0xD;
	v21 =	vshrl.u32 v6, $0xD;
	v14 =	vshrl.u32 v14, $0x7  }
0xf6: {  	v3 =	vxor.u32 v3, v16;
	v4 =	vxor.u32 v4, v15;
	v14 =	vmul.u32 $0x186A0, v14  }
0xf7: {  	v5 =	vxor.u32 v5, v17;
	v12 =	vxor.u32 v12, v18;
	v9 =	vxor.u32 v9, v19  }
0xf8: {  	v7 =	vxor.u32 v7, v20;
	v6 =	vxor.u32 v6, v21;
	v8 =	vsub.s32 v8, v14  }
0xf9: {  	v3 =	vmul.u32 $0xC2B2AE35, v3;
	v4 =	vmul.u32 $0xC2B2AE35, v4;
	v14 =	vmul.u32 $0xC2B2AE35, v5;
	[tilespmem:s26+$0x0] =	vst v8  }
0xfa: {  	v9 =	vmul.u32 $0xC2B2AE35, v9;
	v7 =	vmul.u32 $0xC2B2AE35, v7;
	v8 =	vmul.u32 $0xC2B2AE35, v12  }
0xfb: {  	v15 =	vmul.u32 $0xC2B2AE35, v6;
	v5 =	vshrl.u32 v4, $0x10;
	v12 =	vshrl.u32 v3, $0x10  }
0xfc: {  	v18 =	vshrl.u32 v9, $0x10;
	v16 =	vshrl.u32 v14, $0x10;
	v17 =	vshrl.u32 v8, $0x10  }
0xfd: {  	v19 =	vshrl.u32 v7, $0x10;
	v20 =	vshrl.u32 v15, $0x10;
	v6 =	vxor.u32 v4, v5  }
0xfe: {  	v5 =	vxor.u32 v3, v12;
	v4 =	vxor.u32 v14, v16;
	v3 =	vxor.u32 v8, v17  }
0xff: {  	v15 =	vxor.u32 v15, v20;
	v12 =	vxor.u32 v9, v18;
	v14 =	vxor.u32 v7, v19  }
0x100: {  	v7 =	vshrl.u32 v6, $0x5;
	v16 =	vshrl.u32 v5, $0x5;
	v17 =	vshrl.u32 v4, $0x5  }
.Ltmp2:
0x101: {  	v9 =	vshrl.u32 v12, $0x5;
	v8 =	vshrl.u32 v14, $0x5;
	v18 =	vshrl.u32 v3, $0x5;
	(pc) =	sbr.rel @p0 .LBB2_6-.Ltmp2, $4  }
0x102: {  	v10 =	vsub.s32 v0, v10;
	v0 =	vmovc v12;
	v19 =	vmulhi.u32 $0xA7C5AC5, v7;
	v7 =	vshrl.u32 v15, $0x5  }
0x103: {  	v12 =	vmulhi.u32 $0xA7C5AC5, v16;
	v16 =	vsub.s32 v2, v11;
	[tilespmem:s24+$0xFFFFFFD0] =	vst v10;
	v10 =	vsub.s32 v1, v13;
	v1 =	vmovc v14  }
0x104: {  	v2 =	vmov v15;
	v11 =	vmulhi.u32 $0xA7C5AC5, v17;
	v13 =	vshrl.u32 v19, $0x7;
	[tilespmem:s24+$0xFFFFFFE0] =	vst v10  }
0x105: {  	v10 =	vmul.u32 $0x186A0, v13;
	v13 =	vshrl.u32 v12, $0x7;
	v12 =	vmulhi.u32 $0xA7C5AC5, v18;
	[tilespmem:s24+$0xFFFFFFF0] =	vst v16;
	s24 =	smov.u32 s26;
	s26 =	sadd.s32 $0x80, s26  }
0x106: {  	v9 =	vmulhi.u32 $0xA7C5AC5, v9  }
0x107: {  	v8 =	vmulhi.u32 $0xA7C5AC5, v8  }
0x108: {  	v13 =	vmul.u32 $0x186A0, v13;
	v11 =	vshrl.u32 v11, $0x7;
	v7 =	vmulhi.u32 $0xA7C5AC5, v7  }
0x109: {  	v11 =	vmul.u32 $0x186A0, v11;
	v12 =	vshrl.u32 v12, $0x7;
	v6 =	vsub.s32 v6, v10  }
0x10a: {  	v12 =	vmul.u32 $0x186A0, v12;
	v9 =	vshrl.u32 v9, $0x7;
	[tilespmem:s24+$0xFFFFFF90] =	vst v6;
	v5 =	vsub.s32 v5, v13  }
0x10b: {  	v8 =	vshrl.u32 v8, $0x7;
	v6 =	vmul.u32 $0x186A0, v9;
	[tilespmem:s24+$0xFFFFFFA0] =	vst v5;
	v4 =	vsub.s32 v4, v11  }
0x10c: {  	v7 =	vshrl.u32 v7, $0x7;
	v5 =	vmul.u32 $0x186A0, v8;
	[tilespmem:s24+$0xFFFFFFB0] =	vst v4;
	v3 =	vsub.s32 v3, v12  }
0x10d: {  	v4 =	vmul.u32 $0x186A0, v7;
	[tilespmem:s24+$0xFFFFFFC0] =	vst v3;
	v0 =	vsub.s32 v0, v6  }
0x10e: {  	[tilespmem:s24+$0xFFFFFFD0] =	vst v0;
	v0 =	vsub.s32 v1, v5  }
0x10f: {  	v1 =	vsub.s32 v2, v4;
	[tilespmem:s24+$0xFFFFFFE0] =	vst v0  }
0x110: {  	[tilespmem:s24+$0xFFFFFFF0] =	vst v1  }
0x111: {  	[hbm4b:s9+s2] =	stream.linear.scatter [tilespmem:s13], [sflag:$0x7], $0xD00, $0x38;
	[tilespmem:$0x3400] =	vst v63  }
0x112: {  	_ =	swait.ge [sflag:s18], $0xD00  }
0x113: {  	[sflag:s18] =	ssyncset.done $0x0  }
0x114: {  	s24 =	simm.s32 $0x2770;
	[sflag:s18] =	ssyncadd.s32 $0xFFFFF300  }
0x115: {  	v0 =	vld [tilespmem:s24+$0x0]  }
0x116: {  	v1 =	vld [tilespmem:s24+$0xFFFFFFA0]  }
0x117: {  	v3 =	vld [tilespmem:s24+$0xFFFFFFC0]  }
0x118: {  	v2 =	vld [tilespmem:s24+$0xFFFFFFB0]  }
0x119: {  	v4 =	vld [tilespmem:s24+$0xFFFFFFD0]  }
0x11a: {  	v5 =	vld [tilespmem:s24+$0xFFFFFFE0]  }
0x11b: {  	v6 =	vshrl.u32 v0, $0x10;
	v7 =	vshrl.u32 v1, $0x10  }
0x11c: {  	v8 =	vld [tilespmem:s24+$0xFFFFFFF0];
	v9 =	vshrl.u32 v3, $0x10;
	v0 =	vxor.u32 v0, v6;
	v1 =	vxor.u32 v1, v7  }
0x11d: {  	v7 =	vshrl.u32 v2, $0x10;
	v3 =	vxor.u32 v3, v9;
	v0 =	vmul.u32 $0x85EBCA6B, v0  }
0x11e: {  	v1 =	vmul.u32 $0x85EBCA6B, v1;
	v2 =	vxor.u32 v2, v7;
	v7 =	vshrl.u32 v4, $0x10  }
0x11f: {  	v6 =	vld [tilespmem:s24+$0xFFFFFF90];
	v3 =	vmul.u32 $0x85EBCA6B, v3;
	v4 =	vxor.u32 v4, v7;
	v7 =	vshrl.u32 v5, $0x10  }
0x120: {  	v2 =	vmul.u32 $0x85EBCA6B, v2;
	v9 =	vshrl.u32 v0, $0xD;
	v5 =	vxor.u32 v5, v7  }
0x121: {  	v7 =	vshrl.u32 v8, $0x10;
	v4 =	vmul.u32 $0x85EBCA6B, v4;
	v10 =	vshrl.u32 v1, $0xD  }
0x122: {  	v12 =	vshrl.u32 v3, $0xD;
	v0 =	vxor.u32 v0, v9;
	v7 =	vxor.u32 v8, v7  }
0x123: {  	v5 =	vmul.u32 $0x85EBCA6B, v5;
	v11 =	vshrl.u32 v2, $0xD;
	v1 =	vxor.u32 v1, v10  }
0x124: {  	v3 =	vxor.u32 v3, v12;
	v0 =	vmul.u32 $0xC2B2AE35, v0;
	v9 =	vshrl.u32 v6, $0x10  }
0x125: {  	v7 =	vmul.u32 $0x85EBCA6B, v7;
	v13 =	vshrl.u32 v4, $0xD;
	v2 =	vxor.u32 v2, v11  }
0x126: {  	v1 =	vmul.u32 $0xC2B2AE35, v1;
	v3 =	vmul.u32 $0xC2B2AE35, v3;
	v8 =	vshrl.u32 v0, $0x10  }
0x127: {  	v6 =	vxor.u32 v6, v9;
	v14 =	vshrl.u32 v5, $0xD;
	v0 =	vxor.u32 v0, v8  }
0x128: {  	v4 =	vxor.u32 v4, v13;
	v2 =	vmul.u32 $0xC2B2AE35, v2;
	v8 =	vshrl.u32 v0, $0x5  }
0x129: {  	v6 =	vmul.u32 $0x85EBCA6B, v6;
	v15 =	vshrl.u32 v7, $0xD;
	v8 =	vmulhi.u32 $0xA7C5AC5, v8  }
0x12a: {  	v5 =	vxor.u32 v5, v14;
	v12 =	vshrl.u32 v3, $0x10;
	v7 =	vxor.u32 v7, v15  }
0x12b: {  	v11 =	vshrl.u32 v2, $0x10;
	v3 =	vxor.u32 v3, v12;
	v8 =	vshrl.u32 v8, $0x7  }
0x12c: {  	v9 =	vshrl.u32 v6, $0xD;
	v7 =	vmul.u32 $0xC2B2AE35, v7;
	v8 =	vmul.u32 $0x186A0, v8  }
0x12d: {  	v6 =	vxor.u32 v6, v9;
	v9 =	vmul.u32 $0xC2B2AE35, v5;
	v5 =	vshrl.u32 v1, $0x10  }
0x12e: {  	v15 =	vshrl.u32 v7, $0x10;
	v10 =	vsub.s32 v0, v8;
	v0 =	vmul.u32 $0xC2B2AE35, v6  }
0x12f: {  	v5 =	vxor.u32 v1, v5;
	v14 =	vshrl.u32 v9, $0x10;
	v8 =	vmul.u32 $0xC2B2AE35, v4  }
0x130: {  	v1 =	vxor.u32 v9, v14;
	v14 =	vshrl.u32 v3, $0x5;
	v4 =	vshrl.u32 v0, $0x10  }
0x131: {  	v13 =	vshrl.u32 v8, $0x10;
	v6 =	vxor.u32 v0, v4;
	v4 =	vxor.u32 v2, v11  }
0x132: {  	v0 =	vxor.u32 v8, v13;
	v2 =	vxor.u32 v7, v15;
	v7 =	vshrl.u32 v6, $0x5  }
0x133: {  	v11 =	vshrl.u32 v5, $0x5;
	v8 =	vshrl.u32 v1, $0x5;
	v13 =	vmulhi.u32 $0xA7C5AC5, v7  }
0x134: {  	v12 =	vshrl.u32 v4, $0x5;
	v9 =	vshrl.u32 v0, $0x5;
	v15 =	vmulhi.u32 $0xA7C5AC5, v11  }
0x135: {  	v7 =	vshrl.u32 v2, $0x5;
	v11 =	vmulhi.u32 $0xA7C5AC5, v12;
	v13 =	vshrl.u32 v13, $0x7  }
0x136: {  	s25 =	simm.s32 $0x2700;
	s26 =	simm.s32 $0x27F0;
	[tilespmem:s24+$0x0] =	vst v10;
	v12 =	vmulhi.u32 $0xA7C5AC5, v14;
	v10 =	vmul.u32 $0x186A0, v13;
	v13 =	vshrl.u32 v15, $0x7  }
.LBB2_8:
0x137: {  	v14 =	vld [tilespmem:s26+$0x0];
	s25 =	sadd.s32 $0x80, s25;
	v13 =	vmul.u32 $0x186A0, v13;
	v11 =	vshrl.u32 v11, $0x7;
	v9 =	vmulhi.u32 $0xA7C5AC5, v9  }
0x138: {  	v8 =	vmulhi.u32 $0xA7C5AC5, v8;
	v15 =	vld [tilespmem:s26+$0xFFFFFFA0];
	p0 =	slt.u32 s25, $0x3380;
	v11 =	vmul.u32 $0x186A0, v11;
	v12 =	vshrl.u32 v12, $0x7  }
0x139: {  	v7 =	vmulhi.u32 $0xA7C5AC5, v7;
	v16 =	vld [tilespmem:s26+$0xFFFFFFB0];
	v12 =	vmul.u32 $0x186A0, v12;
	v9 =	vshrl.u32 v9, $0x7  }
0x13a: {  	v6 =	vsub.s32 v6, v10;
	v8 =	vshrl.u32 v8, $0x7;
	v17 =	vld [tilespmem:s26+$0xFFFFFFC0];
	v10 =	vmul.u32 $0x186A0, v9  }
0x13b: {  	v5 =	vsub.s32 v5, v13;
	v13 =	vmul.u32 $0x186A0, v8;
	v9 =	vld [tilespmem:s26+$0xFFFFFFD0];
	[tilespmem:s24+$0xFFFFFF90] =	vst v6;
	v6 =	vshrl.u32 v7, $0x7  }
0x13c: {  	v4 =	vsub.s32 v4, v11;
	v7 =	vld [tilespmem:s26+$0xFFFFFFE0];
	v8 =	vshrl.u32 v14, $0x10;
	[tilespmem:s24+$0xFFFFFFA0] =	vst v5;
	v11 =	vmul.u32 $0x186A0, v6  }
0x13d: {  	v3 =	vsub.s32 v3, v12;
	v5 =	vshrl.u32 v15, $0x10;
	v6 =	vld [tilespmem:s26+$0xFFFFFFF0];
	v8 =	vxor.u32 v14, v8;
	[tilespmem:s24+$0xFFFFFFB0] =	vst v4  }
0x13e: {  	v4 =	vld [tilespmem:s26+$0xFFFFFF90];
	v5 =	vxor.u32 v15, v5;
	v12 =	vshrl.u32 v16, $0x10;
	v8 =	vmul.u32 $0x85EBCA6B, v8;
	[tilespmem:s24+$0xFFFFFFC0] =	vst v3  }
0x13f: {  	v3 =	vmul.u32 $0x85EBCA6B, v5;
	v5 =	vxor.u32 v16, v12;
	v12 =	vshrl.u32 v17, $0x10  }
0x140: {  	v12 =	vxor.u32 v17, v12;
	v14 =	vshrl.u32 v9, $0x10;
	v15 =	vshrl.u32 v8, $0xD  }
0x141: {  	v9 =	vxor.u32 v9, v14;
	v14 =	vshrl.u32 v7, $0x10;
	v8 =	vxor.u32 v8, v15  }
0x142: {  	v7 =	vxor.u32 v7, v14;
	v14 =	vshrl.u32 v6, $0x10;
	v8 =	vmul.u32 $0xC2B2AE35, v8  }
0x143: {  	v5 =	vmul.u32 $0x85EBCA6B, v5;
	v15 =	vshrl.u32 v4, $0x10;
	v6 =	vxor.u32 v6, v14  }
0x144: {  	v12 =	vmul.u32 $0x85EBCA6B, v12;
	v4 =	vxor.u32 v4, v15;
	v14 =	vshrl.u32 v8, $0x10  }
0x145: {  	v9 =	vmul.u32 $0x85EBCA6B, v9;
	v4 =	vmul.u32 $0x85EBCA6B, v4;
	v8 =	vxor.u32 v8, v14  }
0x146: {  	v7 =	vmul.u32 $0x85EBCA6B, v7;
	v6 =	vmul.u32 $0x85EBCA6B, v6;
	v14 =	vshrl.u32 v8, $0x5  }
0x147: {  	v16 =	vshrl.u32 v3, $0xD;
	v15 =	vshrl.u32 v4, $0xD;
	v14 =	vmulhi.u32 $0xA7C5AC5, v14  }
0x148: {  	v17 =	vshrl.u32 v5, $0xD;
	v18 =	vshrl.u32 v12, $0xD;
	v19 =	vshrl.u32 v9, $0xD  }
0x149: {  	v20 =	vshrl.u32 v7, $0xD;
	v21 =	vshrl.u32 v6, $0xD;
	v14 =	vshrl.u32 v14, $0x7  }
0x14a: {  	v3 =	vxor.u32 v3, v16;
	v4 =	vxor.u32 v4, v15;
	v14 =	vmul.u32 $0x186A0, v14  }
0x14b: {  	v5 =	vxor.u32 v5, v17;
	v12 =	vxor.u32 v12, v18;
	v9 =	vxor.u32 v9, v19  }
0x14c: {  	v7 =	vxor.u32 v7, v20;
	v6 =	vxor.u32 v6, v21;
	v8 =	vsub.s32 v8, v14  }
0x14d: {  	v3 =	vmul.u32 $0xC2B2AE35, v3;
	v4 =	vmul.u32 $0xC2B2AE35, v4;
	v14 =	vmul.u32 $0xC2B2AE35, v5;
	[tilespmem:s26+$0x0] =	vst v8  }
0x14e: {  	v9 =	vmul.u32 $0xC2B2AE35, v9;
	v7 =	vmul.u32 $0xC2B2AE35, v7;
	v8 =	vmul.u32 $0xC2B2AE35, v12  }
0x14f: {  	v15 =	vmul.u32 $0xC2B2AE35, v6;
	v5 =	vshrl.u32 v4, $0x10;
	v12 =	vshrl.u32 v3, $0x10  }
0x150: {  	v18 =	vshrl.u32 v9, $0x10;
	v16 =	vshrl.u32 v14, $0x10;
	v17 =	vshrl.u32 v8, $0x10  }
0x151: {  	v19 =	vshrl.u32 v7, $0x10;
	v20 =	vshrl.u32 v15, $0x10;
	v6 =	vxor.u32 v4, v5  }
0x152: {  	v5 =	vxor.u32 v3, v12;
	v4 =	vxor.u32 v14, v16;
	v3 =	vxor.u32 v8, v17  }
0x153: {  	v15 =	vxor.u32 v15, v20;
	v12 =	vxor.u32 v9, v18;
	v14 =	vxor.u32 v7, v19  }
0x154: {  	v7 =	vshrl.u32 v6, $0x5;
	v16 =	vshrl.u32 v5, $0x5;
	v17 =	vshrl.u32 v4, $0x5  }
.Ltmp3:
0x155: {  	v9 =	vshrl.u32 v12, $0x5;
	v8 =	vshrl.u32 v14, $0x5;
	v18 =	vshrl.u32 v3, $0x5;
	(pc) =	sbr.rel @p0 .LBB2_8-.Ltmp3, $4  }
0x156: {  	v10 =	vsub.s32 v0, v10;
	v0 =	vmovc v12;
	v19 =	vmulhi.u32 $0xA7C5AC5, v7;
	v7 =	vshrl.u32 v15, $0x5  }
0x157: {  	v12 =	vmulhi.u32 $0xA7C5AC5, v16;
	v16 =	vsub.s32 v2, v11;
	[tilespmem:s24+$0xFFFFFFD0] =	vst v10;
	v10 =	vsub.s32 v1, v13;
	v1 =	vmovc v14  }
0x158: {  	v2 =	vmov v15;
	v11 =	vmulhi.u32 $0xA7C5AC5, v17;
	v13 =	vshrl.u32 v19, $0x7;
	[tilespmem:s24+$0xFFFFFFE0] =	vst v10  }
0x159: {  	v10 =	vmul.u32 $0x186A0, v13;
	v13 =	vshrl.u32 v12, $0x7;
	v12 =	vmulhi.u32 $0xA7C5AC5, v18;
	[tilespmem:s24+$0xFFFFFFF0] =	vst v16;
	s24 =	smov.u32 s26;
	s26 =	sadd.s32 $0x80, s26  }
0x15a: {  	v9 =	vmulhi.u32 $0xA7C5AC5, v9  }
0x15b: {  	v8 =	vmulhi.u32 $0xA7C5AC5, v8  }
0x15c: {  	v13 =	vmul.u32 $0x186A0, v13;
	v11 =	vshrl.u32 v11, $0x7;
	v7 =	vmulhi.u32 $0xA7C5AC5, v7  }
0x15d: {  	v11 =	vmul.u32 $0x186A0, v11;
	v12 =	vshrl.u32 v12, $0x7;
	v6 =	vsub.s32 v6, v10  }
0x15e: {  	v12 =	vmul.u32 $0x186A0, v12;
	v9 =	vshrl.u32 v9, $0x7;
	[tilespmem:s24+$0xFFFFFF90] =	vst v6;
	v5 =	vsub.s32 v5, v13  }
0x15f: {  	v8 =	vshrl.u32 v8, $0x7;
	v59 =	vmul.u32 $0x186A0, v9;
	[tilespmem:s24+$0xFFFFFFA0] =	vst v5;
	v4 =	vsub.s32 v4, v11  }
0x160: {  	v7 =	vshrl.u32 v7, $0x7;
	v60 =	vmul.u32 $0x186A0, v8;
	[tilespmem:s24+$0xFFFFFFB0] =	vst v4;
	v3 =	vsub.s32 v3, v12  }
0x161: {  	v61 =	vmul.u32 $0x186A0, v7;
	[tilespmem:s24+$0xFFFFFFC0] =	vst v3;
	v0 =	vsub.s32 v0, v59  }
0x162: {  	v62 =	vsub.s32 v1, v60;
	[tilespmem:s24+$0xFFFFFFD0] =	vst v0  }
0x163: {  	v63 =	vsub.s32 v2, v61;
	[tilespmem:s24+$0xFFFFFFE0] =	vst v62  }
0x164: {  	[tilespmem:s24+$0xFFFFFFF0] =	vst v63  }
0x165: {  	[hbm4b:s10+s2] =	stream.linear.scatter [tilespmem:s14], [sflag:$0x8], $0xD00, $0x38;
	[tilespmem:$0x3400] =	vst v63  }
0x166: {  	_ =	swait.ge [sflag:s19], $0xD00  }
0x167: {  	[sflag:s19] =	ssyncset.done $0x0  }
0x168: {  	[sflag:s19] =	ssyncadd.s32 $0xFFFFF300  }
0x169: {  	_ =	swait.ge [sflag:s20], $0xD00  }
0x16a: {  	[sflag:s20] =	ssyncset.done $0x0  }
0x16b: {  	s23 =	sadd.s32 $0x1, s23;
	[sflag:s20] =	ssyncadd.s32 $0xFFFFF300  }
0x16c: {  	p0 =	sne.s32 s23, s11;
	_ =	swait.ge [sflag:s21], $0xD00  }
.Ltmp4:
0x16d: {  	[sflag:s21] =	ssyncset.done $0x0;
	(pc) =	sbr.rel @p0 .LBB2_1-.Ltmp4, $4  }
0x16e: {  	[sflag:s21] =	ssyncadd.s32 $0xFFFFF300  }
0x16f: {  	_ =	swait.ge [sflag:s22], $0xD00  }
0x170: {  	[sflag:s22] =	ssyncset.done $0x0  }
0x171: {  	[sflag:s22] =	ssyncadd.s32 $0xFFFFF300  }
0x172: {  	_ =	sfence.sel $0x180000  }
0x173: {  	[bflag:$0x0] =	sbarrier.arrive $0xFFFF  }
0x174: {  	p0 =	sne.s32 s0, $0x0;
	_ =	strace $0x90000047  }
0x175: {  	s0 =	sadd.s32 @!p0 $0x100000, s1;
	[bflag:$0x2] =	sbarrier.arrive $0xFFFF  }
0x176: {  	[sflag:s0] =	ssyncadd.tile.s32 @!p0 $0x1;
	_ =	shalt  }
.Lfunc_end2:
_tile_overlayer_lowered:
.L_overlay_start_2:
0x177: {  	(tag) =	ssettag $0x2  }
0x178: {  	s0 =	rddreg [dreg:$0x0];
	s2 =	stileid.u32  }
0x179: {  	s1 =	rddreg [dreg:$0x1];
	p0 =	sne.s32 s2, $0x0  }
0x17a: {  	s3 =	rddreg [dreg:$0x2];
	[bflag:$0x3] =	sbarrier.arrive $0xFFFF;
	s2 =	simm.s32 @!p0 $0x1C09  }
0x17b: {  	[timem:s3], [sflag:s2] =	dma.local @!p0 [hbm:s0], s1  }
0x17c: {  	s0 =	simm.s32 @!p0 $0x9  }
0x17d: {  	_ =	swait.ge @!p0 [sflag:s0], s1  }
0x17e: {  	s1 =	ssub.s32 @!p0 $0x0, s1;
	[sflag:s0] =	ssyncset.done @!p0 $0x0  }
0x17f: {  	[sflag:s0] =	ssyncadd.s32 @!p0 s1  }
0x180: {  	[bflag:$0x3] =	sbarrier.arrive $0xFFFF  }
0x181: {  	_ =	shalt  }

</sc_bundles>
